<compile_context>
chip_gen: v7x
topology: tpu7x:2x2x1
jax: 0.10.2.dev20260603
libtpu: 0.0.44.dev20260713+nightly
codegen_flags: <defaults>
</compile_context>

<pallas_src>
import functools

import jax
import jax.numpy as jnp
from jax import lax
from jax.experimental import pallas as pl
from jax.experimental.pallas import tpu as pltpu
from jax.experimental.pallas import tpu_sc as plsc

_B = 8
_D = 32
_T = 1024
_K = 8192
_KC = 128
_TB = 1024
_NT = (_B * _T) // _TB
_NC = _K // _KC
_EPS = 1e-12
_N_ELEM = _B * _T * _D
_LOSS_SCALE = 1.25 / _N_ELEM

_SC_CORES = 2
_SC_SUBCORES = 16
_NW = _SC_CORES * _SC_SUBCORES
_ROWS_PER_W = (_B * _T) // _NW
_IDX_MINOR = 128
_IDX_ROWS_PER_W = _ROWS_PER_W // _IDX_MINOR


def _argmax_kernel(x_ref, emb_ref, idx_ref, embnt_ref):
    b = pl.program_id(0)

    @pl.when(b == 0)
    def _init():
        e = emb_ref[...]
        n = jnp.sqrt(jnp.sum(e * e, axis=1, keepdims=True))
        embnt_ref[...] = (e / jnp.maximum(n, _EPS)).T

    xt = x_ref[0].T
    xn = xt / jnp.maximum(jnp.sqrt(jnp.sum(xt * xt, axis=1, keepdims=True)), _EPS)

    lane = lax.broadcasted_iota(jnp.int32, (_TB, _KC), 1).astype(jnp.float32)
    m_run = jnp.full((_TB, _KC), -jnp.inf, jnp.float32)
    c_run = jnp.zeros((_TB, _KC), jnp.float32)
    for c in range(_NC):
        s_c = lax.dot_general(
            xn, embnt_ref[:, pl.ds(c * _KC, _KC)],
            (((1,), (0,)), ((), ())), preferred_element_type=jnp.float32)
        take = s_c > m_run
        m_run = jnp.where(take, s_c, m_run)
        c_run = jnp.where(take, float(c), c_run)

    m = jnp.max(m_run, axis=1, keepdims=True)
    kk = c_run * float(_KC) + lane
    idx_ref[0, 0, :] = jnp.min(
        jnp.where(m_run == m, kk, float(_K)), axis=1).astype(jnp.int32)


def _sc_gather_body(table_hbm, idx_hbm, out_hbm, idx_v, rows_v, sem):
    wid = lax.axis_index("s") * _SC_CORES + lax.axis_index("c")
    base = wid * _IDX_ROWS_PER_W
    pltpu.sync_copy(idx_hbm.at[pl.ds(base, _IDX_ROWS_PER_W)], idx_v)
    copies = [
        pltpu.async_copy(table_hbm.at[idx_v.at[j]], rows_v.at[j], sem)
        for j in range(_IDX_ROWS_PER_W)
    ]
    for cp in copies:
        cp.wait()
    pltpu.sync_copy(rows_v, out_hbm.at[pl.ds(base, _IDX_ROWS_PER_W)])


@functools.cache
def _sc_gather():
    mesh = plsc.VectorSubcoreMesh(
        core_axis_name="c", subcore_axis_name="s",
        num_cores=_SC_CORES, num_subcores=_SC_SUBCORES)
    return pl.kernel(
        _sc_gather_body,
        out_type=jax.ShapeDtypeStruct((_NW * _IDX_ROWS_PER_W, _IDX_MINOR, _D),
                                      jnp.float32),
        mesh=mesh,
        scratch_types=[
            pltpu.VMEM((_IDX_ROWS_PER_W, _IDX_MINOR), jnp.int32),
            pltpu.VMEM((_IDX_ROWS_PER_W, _IDX_MINOR, _D), jnp.float32),
            pltpu.SemaphoreType.DMA,
        ],
        compiler_params=pltpu.CompilerParams(use_tc_tiling_on_sc=False),
    )


def _finish_kernel(q_ref, x_ref, out_ref, loss_ref, acc_ref):
    b = pl.program_id(0)

    @pl.when(b == 0)
    def _init():
        acc_ref[0, 0] = 0.0

    qt = q_ref[0].T
    x = x_ref[0]
    out_ref[0] = x + (qt - x)
    d = qt - x
    acc_ref[0, 0] += jnp.sum(d * d)
    loss_ref[...] = jnp.full((1, 1), acc_ref[0, 0] * _LOSS_SCALE, jnp.float32)


def kernel(inputs, embeddings):
    idx3 = pl.pallas_call(
        _argmax_kernel,
        grid=(_NT,),
        in_specs=[
            pl.BlockSpec((1, _D, _TB), lambda i: (i // (_T // _TB), 0, i % (_T // _TB))),
            pl.BlockSpec((_K, _D), lambda i: (0, 0)),
        ],
        out_specs=pl.BlockSpec((1, 1, _TB), lambda i: (i, 0, 0)),
        out_shape=jax.ShapeDtypeStruct((_NT, 1, _TB), jnp.int32),
        scratch_shapes=[pltpu.VMEM((_D, _K), jnp.float32)],
    )(inputs, embeddings)

    q = _sc_gather()(embeddings,
                     idx3.reshape(_NW * _IDX_ROWS_PER_W, _IDX_MINOR))

    out, loss = pl.pallas_call(
        _finish_kernel,
        grid=(_B,),
        in_specs=[
            pl.BlockSpec((1, _T, _D), lambda b: (b, 0, 0)),
            pl.BlockSpec((1, _D, _T), lambda b: (b, 0, 0)),
        ],
        out_specs=[
            pl.BlockSpec((1, _D, _T), lambda b: (b, 0, 0)),
            pl.BlockSpec((1, 1), lambda b: (0, 0)),
        ],
        out_shape=[
            jax.ShapeDtypeStruct((_B, _D, _T), jnp.float32),
            jax.ShapeDtypeStruct((1, 1), jnp.float32),
        ],
        scratch_shapes=[pltpu.SMEM((1, 1), jnp.float32)],
    )(q.reshape(_B, _T, _D), inputs)

    return (out, loss.reshape(()), idx3.reshape(-1))

# --- scband reference (transcript-rebuilt; emitter-appended) ---
"""Pipeline reference for scband-vector-quantizer-72679436583362 (READ-ONLY COPY).

The authoritative reference and input builder live on the scoring server;
editing this copy changes nothing except your own understanding.
"""

import jax, jax.numpy as jnp
import numpy as np
import math

EMBEDDING_DIM = 32
NUM_EMBEDDINGS = 8192
COMMITMENT_COST = 0.25


def setup_inputs(seed: int = 0) -> dict:
    key = jax.random.key(seed)
    k1, k2 = jax.random.split(key)
    inputs = jax.random.normal(k1, (8, EMBEDDING_DIM, 1024), dtype=jnp.float32)
    scale = 1.0 / max(1.0, EMBEDDING_DIM)
    limit = math.sqrt(3.0 * scale)
    embeddings = jax.random.uniform(k2, (NUM_EMBEDDINGS, EMBEDDING_DIM), dtype=jnp.float32, minval=-limit, maxval=limit)
    return {"inputs": inputs, "embeddings": embeddings}


def _l2_normalize(x, axis=1, eps=1e-12):
    n = jnp.linalg.norm(x, axis=axis, keepdims=True)
    return x / jnp.maximum(n, eps)


def reference(inputs, embeddings):
    # inputs: [B, D, T] -> permute to [B, T, D]
    x = jnp.transpose(inputs, (0, 2, 1))
    B, T, D = x.shape
    flat = x.reshape(-1, D)
    flat_n = _l2_normalize(flat, axis=1)
    emb_n = _l2_normalize(embeddings, axis=1)
    similarity = flat_n @ emb_n.T  # [B*T, K]
    encoding_indices = jnp.argmax(similarity, axis=1)  # [B*T]
    quantized = jnp.take(embeddings, encoding_indices, axis=0)  # gather
    quantized = quantized.reshape(x.shape)
    e_latent_loss = jnp.mean((jax.lax.stop_gradient(quantized) - x) ** 2)
    q_latent_loss = jnp.mean((quantized - jax.lax.stop_gradient(x)) ** 2)
    loss = q_latent_loss + COMMITMENT_COST * e_latent_loss
    quantized_st = x + jax.lax.stop_gradient(quantized - x)
    out = jnp.transpose(quantized_st, (0, 2, 1))  # [B, D, T]
    return (out, loss, encoding_indices)

if __name__ == "__main__":
    import jax
    _d = setup_inputs()
    print(jax.jit(kernel)(*tuple(_d.values())))

</pallas_src>

<mosaic_0001>
#map = affine_map<(d0, d1) -> (0, 0)>
#map1 = affine_map<(d0, d1) -> (0, 0, 0)>
module attributes {stable_mosaic.version = 14 : i64} {
  func.func @_sc_gather_body(%arg0: i32, %arg1: i32, %arg2: memref<8192x32xf32, #tpu.memory_space<hbm>>, %arg3: memref<64x128xi32, #tpu.memory_space<hbm>>, %arg4: memref<64x128x32xf32, #tpu.memory_space<hbm>>, %arg5: memref<2x128xi32, #tpu.memory_space<vmem>>, %arg6: memref<2x128x32xf32, #tpu.memory_space<vmem>>, %arg7: memref<!tpu.dma_semaphore, #tpu.memory_space<semaphore_mem>>) attributes {dimension_semantics = [#tpu.dimension_semantics<core_parallel>, #tpu.dimension_semantics<subcore_parallel>], iteration_bounds = array<i64: 2, 16>, scalar_prefetch = 0 : i64, scratch_operands = 3 : i64, tpu.core_type = #tpu.core_type<sc_vector_subcore>, window_params = [{transform_indices = #map}, {transform_indices = #map}, {transform_indices = #map1}]} {
    %mul3A = arith.constant 2 : i32
    %mul3A_0 = arith.muli %arg1, %mul3A : i32
    %add3A = arith.addi %mul3A_0, %arg0 : i32
    %mul3A_1 = arith.constant 2 : i32
    %mul3A_2 = arith.muli %add3A, %mul3A_1 : i32
    "tpu.region"() ({
      %run_scoped3A = tpu.sem_alloc : memref<!tpu.dma_semaphore, #tpu.memory_space<semaphore_mem>>
      %dma_start3A_49 = arith.constant 0 : i32
      %dma_start3A_50 = tpu.memref_slice %arg3[%mul3A_2, %dma_start3A_49] : memref<64x128xi32, #tpu.memory_space<hbm>> -> memref<2x128xi32, #tpu.memory_space<hbm>>
      %dma_start3A_51 = arith.constant 0 : i32
      %dma_start3A_52 = tpu.memref_slice %arg3[%mul3A_2, %dma_start3A_51] : memref<64x128xi32, #tpu.memory_space<hbm>> -> memref<2x128xi32, #tpu.memory_space<hbm>>
      tpu.enqueue_dma source(%dma_start3A_52 : memref<2x128xi32, #tpu.memory_space<hbm>>) target(%arg5 : memref<2x128xi32, #tpu.memory_space<vmem>>) target_semaphore(%run_scoped3A : memref<!tpu.dma_semaphore, #tpu.memory_space<semaphore_mem>>)
      %dma_wait3A_53 = arith.constant 0 : i32
      %dma_wait3A_54 = tpu.memref_slice %arg3[%mul3A_2, %dma_wait3A_53] : memref<64x128xi32, #tpu.memory_space<hbm>> -> memref<2x128xi32, #tpu.memory_space<hbm>>
      %dma_wait3A_55 = arith.constant 0 : i32
      %dma_wait3A_56 = tpu.memref_slice %arg3[%mul3A_2, %dma_wait3A_55] : memref<64x128xi32, #tpu.memory_space<hbm>> -> memref<2x128xi32, #tpu.memory_space<hbm>>
      tpu.wait_dma2 semaphore(%run_scoped3A : memref<!tpu.dma_semaphore, #tpu.memory_space<semaphore_mem>>) src(%dma_wait3A_56 : memref<2x128xi32, #tpu.memory_space<hbm>>) dst(%arg5 : memref<2x128xi32, #tpu.memory_space<vmem>>)
      tpu.yield
    }) : () -> ()
    %dma_start3A = arith.constant 0 : i32
    %dma_start3A_3 = arith.constant 0 : i32
    %dma_start3A_4 = arith.constant 0 : i32
    %dma_start3A_5 = arith.constant 0 : i32
    %dma_start3A_6 = tpu.memref_slice %arg6[%dma_start3A_3, %dma_start3A_4, %dma_start3A_5] : memref<2x128x32xf32, #tpu.memory_space<vmem>> -> memref<1x128x32xf32, #tpu.memory_space<vmem>>
    %dma_start3A_7 = tpu.memref_squeeze %dma_start3A_6 : memref<1x128x32xf32, #tpu.memory_space<vmem>> -> memref<128x32xf32, #tpu.memory_space<vmem>>
    %dma_start3A_8 = arith.constant 0 : i32
    %dma_start3A_9 = tpu.memref_slice %arg5[%dma_start3A, %dma_start3A_8] : memref<2x128xi32, #tpu.memory_space<vmem>> -> memref<1x128xi32, #tpu.memory_space<vmem>>
    %dma_start3A_10 = tpu.memref_squeeze %dma_start3A_9 : memref<1x128xi32, #tpu.memory_space<vmem>> -> memref<128xi32, #tpu.memory_space<vmem>>
    %dma_start3A_11 = arith.constant 0 : i32
    %dma_start3A_12 = arith.constant 0 : i32
    %dma_start3A_13 = tpu.memref_slice %arg2[%dma_start3A_11, %dma_start3A_12] : memref<8192x32xf32, #tpu.memory_space<hbm>> -> memref<8192x32xf32, #tpu.memory_space<hbm>>
    tpu.enqueue_indirect_dma source(%dma_start3A_13 : memref<8192x32xf32, #tpu.memory_space<hbm>>) target(%dma_start3A_7 : memref<128x32xf32, #tpu.memory_space<vmem>>) offsets(%dma_start3A_10 : memref<128xi32, #tpu.memory_space<vmem>>) semaphore(%arg7 : memref<!tpu.dma_semaphore, #tpu.memory_space<semaphore_mem>>)
    %dma_start3A_14 = arith.constant 1 : i32
    %dma_start3A_15 = arith.constant 1 : i32
    %dma_start3A_16 = arith.constant 0 : i32
    %dma_start3A_17 = arith.constant 0 : i32
    %dma_start3A_18 = tpu.memref_slice %arg6[%dma_start3A_15, %dma_start3A_16, %dma_start3A_17] : memref<2x128x32xf32, #tpu.memory_space<vmem>> -> memref<1x128x32xf32, #tpu.memory_space<vmem>>
    %dma_start3A_19 = tpu.memref_squeeze %dma_start3A_18 : memref<1x128x32xf32, #tpu.memory_space<vmem>> -> memref<128x32xf32, #tpu.memory_space<vmem>>
    %dma_start3A_20 = arith.constant 0 : i32
    %dma_start3A_21 = tpu.memref_slice %arg5[%dma_start3A_14, %dma_start3A_20] : memref<2x128xi32, #tpu.memory_space<vmem>> -> memref<1x128xi32, #tpu.memory_space<vmem>>
    %dma_start3A_22 = tpu.memref_squeeze %dma_start3A_21 : memref<1x128xi32, #tpu.memory_space<vmem>> -> memref<128xi32, #tpu.memory_space<vmem>>
    %dma_start3A_23 = arith.constant 0 : i32
    %dma_start3A_24 = arith.constant 0 : i32
    %dma_start3A_25 = tpu.memref_slice %arg2[%dma_start3A_23, %dma_start3A_24] : memref<8192x32xf32, #tpu.memory_space<hbm>> -> memref<8192x32xf32, #tpu.memory_space<hbm>>
    tpu.enqueue_indirect_dma source(%dma_start3A_25 : memref<8192x32xf32, #tpu.memory_space<hbm>>) target(%dma_start3A_19 : memref<128x32xf32, #tpu.memory_space<vmem>>) offsets(%dma_start3A_22 : memref<128xi32, #tpu.memory_space<vmem>>) semaphore(%arg7 : memref<!tpu.dma_semaphore, #tpu.memory_space<semaphore_mem>>)
    %dma_wait3A = arith.constant 0 : i32
    %dma_wait3A_26 = arith.constant 0 : i32
    %dma_wait3A_27 = arith.constant 0 : i32
    %dma_wait3A_28 = arith.constant 0 : i32
    %dma_wait3A_29 = tpu.memref_slice %arg6[%dma_wait3A_26, %dma_wait3A_27, %dma_wait3A_28] : memref<2x128x32xf32, #tpu.memory_space<vmem>> -> memref<1x128x32xf32, #tpu.memory_space<vmem>>
    %dma_wait3A_30 = tpu.memref_squeeze %dma_wait3A_29 : memref<1x128x32xf32, #tpu.memory_space<vmem>> -> memref<128x32xf32, #tpu.memory_space<vmem>>
    %dma_wait3A_31 = arith.constant 0 : i32
    %dma_wait3A_32 = tpu.memref_slice %arg5[%dma_wait3A, %dma_wait3A_31] : memref<2x128xi32, #tpu.memory_space<vmem>> -> memref<1x128xi32, #tpu.memory_space<vmem>>
    %dma_wait3A_33 = tpu.memref_squeeze %dma_wait3A_32 : memref<1x128xi32, #tpu.memory_space<vmem>> -> memref<128xi32, #tpu.memory_space<vmem>>
    %dma_wait3A_34 = arith.constant 0 : i32
    %dma_wait3A_35 = arith.constant 0 : i32
    %dma_wait3A_36 = tpu.memref_slice %arg2[%dma_wait3A_34, %dma_wait3A_35] : memref<8192x32xf32, #tpu.memory_space<hbm>> -> memref<8192x32xf32, #tpu.memory_space<hbm>>
    tpu.wait_indirect_dma semaphore(%arg7 : memref<!tpu.dma_semaphore, #tpu.memory_space<semaphore_mem>>) src(%dma_wait3A_36 : memref<8192x32xf32, #tpu.memory_space<hbm>>) dst(%dma_wait3A_30 : memref<128x32xf32, #tpu.memory_space<vmem>>)
    %dma_wait3A_37 = arith.constant 1 : i32
    %dma_wait3A_38 = arith.constant 1 : i32
    %dma_wait3A_39 = arith.constant 0 : i32
    %dma_wait3A_40 = arith.constant 0 : i32
    %dma_wait3A_41 = tpu.memref_slice %arg6[%dma_wait3A_38, %dma_wait3A_39, %dma_wait3A_40] : memref<2x128x32xf32, #tpu.memory_space<vmem>> -> memref<1x128x32xf32, #tpu.memory_space<vmem>>
    %dma_wait3A_42 = tpu.memref_squeeze %dma_wait3A_41 : memref<1x128x32xf32, #tpu.memory_space<vmem>> -> memref<128x32xf32, #tpu.memory_space<vmem>>
    %dma_wait3A_43 = arith.constant 0 : i32
    %dma_wait3A_44 = tpu.memref_slice %arg5[%dma_wait3A_37, %dma_wait3A_43] : memref<2x128xi32, #tpu.memory_space<vmem>> -> memref<1x128xi32, #tpu.memory_space<vmem>>
    %dma_wait3A_45 = tpu.memref_squeeze %dma_wait3A_44 : memref<1x128xi32, #tpu.memory_space<vmem>> -> memref<128xi32, #tpu.memory_space<vmem>>
    %dma_wait3A_46 = arith.constant 0 : i32
    %dma_wait3A_47 = arith.constant 0 : i32
    %dma_wait3A_48 = tpu.memref_slice %arg2[%dma_wait3A_46, %dma_wait3A_47] : memref<8192x32xf32, #tpu.memory_space<hbm>> -> memref<8192x32xf32, #tpu.memory_space<hbm>>
    tpu.wait_indirect_dma semaphore(%arg7 : memref<!tpu.dma_semaphore, #tpu.memory_space<semaphore_mem>>) src(%dma_wait3A_48 : memref<8192x32xf32, #tpu.memory_space<hbm>>) dst(%dma_wait3A_42 : memref<128x32xf32, #tpu.memory_space<vmem>>)
    "tpu.region"() ({
      %run_scoped3A = tpu.sem_alloc : memref<!tpu.dma_semaphore, #tpu.memory_space<semaphore_mem>>
      %dma_start3A_49 = arith.constant 0 : i32
      %dma_start3A_50 = arith.constant 0 : i32
      %dma_start3A_51 = tpu.memref_slice %arg4[%mul3A_2, %dma_start3A_49, %dma_start3A_50] : memref<64x128x32xf32, #tpu.memory_space<hbm>> -> memref<2x128x32xf32, #tpu.memory_space<hbm>>
      %dma_start3A_52 = arith.constant 0 : i32
      %dma_start3A_53 = arith.constant 0 : i32
      %dma_start3A_54 = tpu.memref_slice %arg4[%mul3A_2, %dma_start3A_52, %dma_start3A_53] : memref<64x128x32xf32, #tpu.memory_space<hbm>> -> memref<2x128x32xf32, #tpu.memory_space<hbm>>
      tpu.enqueue_dma source(%arg6 : memref<2x128x32xf32, #tpu.memory_space<vmem>>) target(%dma_start3A_54 : memref<2x128x32xf32, #tpu.memory_space<hbm>>) target_semaphore(%run_scoped3A : memref<!tpu.dma_semaphore, #tpu.memory_space<semaphore_mem>>)
      %dma_wait3A_55 = arith.constant 0 : i32
      %dma_wait3A_56 = arith.constant 0 : i32
      %dma_wait3A_57 = tpu.memref_slice %arg4[%mul3A_2, %dma_wait3A_55, %dma_wait3A_56] : memref<64x128x32xf32, #tpu.memory_space<hbm>> -> memref<2x128x32xf32, #tpu.memory_space<hbm>>
      %dma_wait3A_58 = arith.constant 0 : i32
      %dma_wait3A_59 = arith.constant 0 : i32
      %dma_wait3A_60 = tpu.memref_slice %arg4[%mul3A_2, %dma_wait3A_58, %dma_wait3A_59] : memref<64x128x32xf32, #tpu.memory_space<hbm>> -> memref<2x128x32xf32, #tpu.memory_space<hbm>>
      tpu.wait_dma2 semaphore(%run_scoped3A : memref<!tpu.dma_semaphore, #tpu.memory_space<semaphore_mem>>) src(%arg6 : memref<2x128x32xf32, #tpu.memory_space<vmem>>) dst(%dma_wait3A_60 : memref<2x128x32xf32, #tpu.memory_space<hbm>>)
      tpu.yield
    }) : () -> ()
    return
  }
}

module attributes {stable_mosaic.version = 14 : i64} {
  func.func @_argmax_kernel(%arg0: i32, %arg1: memref<1x32x1024xf32, #tpu.memory_space<vmem>>, %arg2: memref<8192x32xf32, #tpu.memory_space<vmem>>, %arg3: memref<1x1x1024xi32, #tpu.memory_space<vmem>>, %arg4: memref<32x8192xf32, #tpu.memory_space<vmem>>) attributes {dimension_semantics = [#tpu.dimension_semantics<arbitrary>], iteration_bounds = array<i64: 8>, scalar_prefetch = 0 : i64, scratch_operands = 1 : i64, tpu.core_type = #tpu.core_type<tc>, window_params = [{transform_indices = @transform_0, window_bounds = array<i64: 1, 32, 1024>}, {pipeline_mode = #tpu.pipeline_mode<synchronous>, transform_indices = @transform_1, window_bounds = array<i64: 8192, 32>}, {transform_indices = @transform_2, window_bounds = array<i64: 1, 1, 1024>}]} {
    %eq3A = arith.constant 0 : i32
    %eq3A_0 = arith.cmpi eq, %arg0, %eq3A : i32
    %convert_element_type3A = arith.extui %eq3A_0 : i1 to i32
    %cond3A = arith.constant 0 : i32
    %cond3A_1 = arith.cmpi ne, %convert_element_type3A, %cond3A : i32
    scf.if %cond3A_1 {
      %get3A_668 = arith.constant 0 : index
      %get3A_669 = arith.constant 0 : index
      %get3A_670 = vector.load %arg2[%get3A_668, %get3A_669] : memref<8192x32xf32, #tpu.memory_space<vmem>>, vector<8192x32xf32>
      %mul3A_671 = arith.mulf %get3A_670, %get3A_670 : vector<8192x32xf32>
      %reduce_sum3A_672 = arith.constant dense<0.000000e+00> : vector<8192xf32>
      %reduce_sum3A_673 = vector.multi_reduction <add>, %mul3A_671, %reduce_sum3A_672 [1] : vector<8192x32xf32> to vector<8192xf32>
      %broadcast_in_dim3A_674 = vector.shape_cast %reduce_sum3A_673 : vector<8192xf32> to vector<8192x1xf32>
      %sqrt3A_675 = math.sqrt %broadcast_in_dim3A_674 : vector<8192x1xf32>
      %max3A_676 = arith.constant 9.99999996E-13 : f32
      %max3A_677 = vector.broadcast %max3A_676 : f32 to vector<8192x1xf32>
      %max3A_678 = arith.maximumf %sqrt3A_675, %max3A_677 : vector<8192x1xf32>
      %div3A_679 = vector.broadcast %max3A_678 : vector<8192x1xf32> to vector<8192x32xf32>
      %div3A_680 = arith.divf %get3A_670, %div3A_679 : vector<8192x32xf32>
      %transpose3A_681 = tpu.transpose %div3A_680, [1, 0] : vector<8192x32xf32> -> vector<32x8192xf32>
      %swap3A_682 = arith.constant 0 : index
      %swap3A_683 = arith.constant 0 : index
      %swap3A_684 = vector.load %arg4[%swap3A_682, %swap3A_683] : memref<32x8192xf32, #tpu.memory_space<vmem>>, vector<32x8192xf32>
      tpu.vector_store %arg4[%swap3A_682, %swap3A_683], %transpose3A_681 {strides = array<i32>} : memref<32x8192xf32, #tpu.memory_space<vmem>>, vector<32x8192xf32>,
    } else {
    }
    %get3A = arith.constant 0 : index
    %get3A_2 = arith.constant 0 : index
    %get3A_3 = arith.constant 0 : index
    %get3A_4 = vector.load %arg1[%get3A, %get3A_2, %get3A_3] : memref<1x32x1024xf32, #tpu.memory_space<vmem>>, vector<1x32x1024xf32>
    %get3A_5 = vector.shape_cast %get3A_4 : vector<1x32x1024xf32> to vector<32x1024xf32>
    %transpose3A = tpu.transpose %get3A_5, [1, 0] : vector<32x1024xf32> -> vector<1024x32xf32>
    %mul3A = arith.mulf %transpose3A, %transpose3A : vector<1024x32xf32>
    %reduce_sum3A = arith.constant dense<0.000000e+00> : vector<1024xf32>
    %reduce_sum3A_6 = vector.multi_reduction <add>, %mul3A, %reduce_sum3A [1] : vector<1024x32xf32> to vector<1024xf32>
    %broadcast_in_dim3A = vector.shape_cast %reduce_sum3A_6 : vector<1024xf32> to vector<1024x1xf32>
    %sqrt3A = math.sqrt %broadcast_in_dim3A : vector<1024x1xf32>
    %max3A = arith.constant 9.99999996E-13 : f32
    %max3A_7 = vector.broadcast %max3A : f32 to vector<1024x1xf32>
    %max3A_8 = arith.maximumf %sqrt3A, %max3A_7 : vector<1024x1xf32>
    %div3A = vector.broadcast %max3A_8 : vector<1024x1xf32> to vector<1024x32xf32>
    %div3A_9 = arith.divf %transpose3A, %div3A : vector<1024x32xf32>
    %iota3A = tpu.iota {dimensions = array<i32: 1>} : vector<1024x128xi32>
    %convert_element_type3A_10 = arith.sitofp %iota3A : vector<1024x128xi32> to vector<1024x128xf32>
    %broadcast_in_dim3A_11 = arith.constant 0xFF800000 : f32
    %broadcast_in_dim3A_12 = vector.broadcast %broadcast_in_dim3A_11 : f32 to vector<1024x128xf32>
    %broadcast_in_dim3A_13 = arith.constant 0.000000e+00 : f32
    %broadcast_in_dim3A_14 = vector.broadcast %broadcast_in_dim3A_13 : f32 to vector<1024x128xf32>
    %get3A_15 = arith.constant 0 : index
    %get3A_16 = arith.constant 0 : index
    %get3A_17 = vector.load %arg4[%get3A_15, %get3A_16] : memref<32x8192xf32, #tpu.memory_space<vmem>>, vector<32x128xf32>
    %dot_general3A = arith.constant dense<0.000000e+00> : vector<1024x128xf32>
    %dot_general3A_18 = tpu.matmul %div3A_9, %get3A_17, %dot_general3A {dimension_numbers = #tpu.dot_dimension_numbers<[1], [0], [0], [1], [0, 0, 1, 1], [], []>, transpose_lhs_hint = false} : vector<1024x32xf32>, vector<32x128xf32>, vector<1024x128xf32> -> vector<1024x128xf32>
    %gt3A = arith.cmpf ogt, %dot_general3A_18, %broadcast_in_dim3A_12 : vector<1024x128xf32>
    %select_n3A = arith.select %gt3A, %dot_general3A_18, %broadcast_in_dim3A_12 : vector<1024x128xi1>, vector<1024x128xf32>
    %jit3A = arith.constant 0.000000e+00 : f32
    %broadcast_in_dim3A_19 = vector.broadcast %jit3A : f32 to vector<1024x128xf32>
    %select_n3A_20 = arith.select %gt3A, %broadcast_in_dim3A_19, %broadcast_in_dim3A_14 : vector<1024x128xi1>, vector<1024x128xf32>
    %get3A_21 = arith.constant 0 : index
    %get3A_22 = arith.constant 128 : index
    %get3A_23 = vector.load %arg4[%get3A_21, %get3A_22] : memref<32x8192xf32, #tpu.memory_space<vmem>>, vector<32x128xf32>
    %dot_general3A_24 = arith.constant dense<0.000000e+00> : vector<1024x128xf32>
    %dot_general3A_25 = tpu.matmul %div3A_9, %get3A_23, %dot_general3A_24 {dimension_numbers = #tpu.dot_dimension_numbers<[1], [0], [0], [1], [0, 0, 1, 1], [], []>, transpose_lhs_hint = false} : vector<1024x32xf32>, vector<32x128xf32>, vector<1024x128xf32> -> vector<1024x128xf32>
    %gt3A_26 = arith.cmpf ogt, %dot_general3A_25, %select_n3A : vector<1024x128xf32>
    %select_n3A_27 = arith.select %gt3A_26, %dot_general3A_25, %select_n3A : vector<1024x128xi1>, vector<1024x128xf32>
    %jit3A_28 = arith.constant 1.000000e+00 : f32
    %broadcast_in_dim3A_29 = vector.broadcast %jit3A_28 : f32 to vector<1024x128xf32>
    %select_n3A_30 = arith.select %gt3A_26, %broadcast_in_dim3A_29, %select_n3A_20 : vector<1024x128xi1>, vector<1024x128xf32>
    %get3A_31 = arith.constant 0 : index
    %get3A_32 = arith.constant 256 : index
    %get3A_33 = vector.load %arg4[%get3A_31, %get3A_32] : memref<32x8192xf32, #tpu.memory_space<vmem>>, vector<32x128xf32>
    %dot_general3A_34 = arith.constant dense<0.000000e+00> : vector<1024x128xf32>
    %dot_general3A_35 = tpu.matmul %div3A_9, %get3A_33, %dot_general3A_34 {dimension_numbers = #tpu.dot_dimension_numbers<[1], [0], [0], [1], [0, 0, 1, 1], [], []>, transpose_lhs_hint = false} : vector<1024x32xf32>, vector<32x128xf32>, vector<1024x128xf32> -> vector<1024x128xf32>
    %gt3A_36 = arith.cmpf ogt, %dot_general3A_35, %select_n3A_27 : vector<1024x128xf32>
    %select_n3A_37 = arith.select %gt3A_36, %dot_general3A_35, %select_n3A_27 : vector<1024x128xi1>, vector<1024x128xf32>
    %jit3A_38 = arith.constant 2.000000e+00 : f32
    %broadcast_in_dim3A_39 = vector.broadcast %jit3A_38 : f32 to vector<1024x128xf32>
    %select_n3A_40 = arith.select %gt3A_36, %broadcast_in_dim3A_39, %select_n3A_30 : vector<1024x128xi1>, vector<1024x128xf32>
    %get3A_41 = arith.constant 0 : index
    %get3A_42 = arith.constant 384 : index
    %get3A_43 = vector.load %arg4[%get3A_41, %get3A_42] : memref<32x8192xf32, #tpu.memory_space<vmem>>, vector<32x128xf32>
    %dot_general3A_44 = arith.constant dense<0.000000e+00> : vector<1024x128xf32>
    %dot_general3A_45 = tpu.matmul %div3A_9, %get3A_43, %dot_general3A_44 {dimension_numbers = #tpu.dot_dimension_numbers<[1], [0], [0], [1], [0, 0, 1, 1], [], []>, transpose_lhs_hint = false} : vector<1024x32xf32>, vector<32x128xf32>, vector<1024x128xf32> -> vector<1024x128xf32>
    %gt3A_46 = arith.cmpf ogt, %dot_general3A_45, %select_n3A_37 : vector<1024x128xf32>
    %select_n3A_47 = arith.select %gt3A_46, %dot_general3A_45, %select_n3A_37 : vector<1024x128xi1>, vector<1024x128xf32>
    %jit3A_48 = arith.constant 3.000000e+00 : f32
    %broadcast_in_dim3A_49 = vector.broadcast %jit3A_48 : f32 to vector<1024x128xf32>
    %select_n3A_50 = arith.select %gt3A_46, %broadcast_in_dim3A_49, %select_n3A_40 : vector<1024x128xi1>, vector<1024x128xf32>
    %get3A_51 = arith.constant 0 : index
    %get3A_52 = arith.constant 512 : index
    %get3A_53 = vector.load %arg4[%get3A_51, %get3A_52] : memref<32x8192xf32, #tpu.memory_space<vmem>>, vector<32x128xf32>
    %dot_general3A_54 = arith.constant dense<0.000000e+00> : vector<1024x128xf32>
    %dot_general3A_55 = tpu.matmul %div3A_9, %get3A_53, %dot_general3A_54 {dimension_numbers = #tpu.dot_dimension_numbers<[1], [0], [0], [1], [0, 0, 1, 1], [], []>, transpose_lhs_hint = false} : vector<1024x32xf32>, vector<32x128xf32>, vector<1024x128xf32> -> vector<1024x128xf32>
    %gt3A_56 = arith.cmpf ogt, %dot_general3A_55, %select_n3A_47 : vector<1024x128xf32>
    %select_n3A_57 = arith.select %gt3A_56, %dot_general3A_55, %select_n3A_47 : vector<1024x128xi1>, vector<1024x128xf32>
    %jit3A_58 = arith.constant 4.000000e+00 : f32
    %broadcast_in_dim3A_59 = vector.broadcast %jit3A_58 : f32 to vector<1024x128xf32>
    %select_n3A_60 = arith.select %gt3A_56, %broadcast_in_dim3A_59, %select_n3A_50 : vector<1024x128xi1>, vector<1024x128xf32>
    %get3A_61 = arith.constant 0 : index
    %get3A_62 = arith.constant 640 : index
    %get3A_63 = vector.load %arg4[%get3A_61, %get3A_62] : memref<32x8192xf32, #tpu.memory_space<vmem>>, vector<32x128xf32>
    %dot_general3A_64 = arith.constant dense<0.000000e+00> : vector<1024x128xf32>
    %dot_general3A_65 = tpu.matmul %div3A_9, %get3A_63, %dot_general3A_64 {dimension_numbers = #tpu.dot_dimension_numbers<[1], [0], [0], [1], [0, 0, 1, 1], [], []>, transpose_lhs_hint = false} : vector<1024x32xf32>, vector<32x128xf32>, vector<1024x128xf32> -> vector<1024x128xf32>
    %gt3A_66 = arith.cmpf ogt, %dot_general3A_65, %select_n3A_57 : vector<1024x128xf32>
    %select_n3A_67 = arith.select %gt3A_66, %dot_general3A_65, %select_n3A_57 : vector<1024x128xi1>, vector<1024x128xf32>
    %jit3A_68 = arith.constant 5.000000e+00 : f32
    %broadcast_in_dim3A_69 = vector.broadcast %jit3A_68 : f32 to vector<1024x128xf32>
    %select_n3A_70 = arith.select %gt3A_66, %broadcast_in_dim3A_69, %select_n3A_60 : vector<1024x128xi1>, vector<1024x128xf32>
    %get3A_71 = arith.constant 0 : index
    %get3A_72 = arith.constant 768 : index
    %get3A_73 = vector.load %arg4[%get3A_71, %get3A_72] : memref<32x8192xf32, #tpu.memory_space<vmem>>, vector<32x128xf32>
    %dot_general3A_74 = arith.constant dense<0.000000e+00> : vector<1024x128xf32>
    %dot_general3A_75 = tpu.matmul %div3A_9, %get3A_73, %dot_general3A_74 {dimension_numbers = #tpu.dot_dimension_numbers<[1], [0], [0], [1], [0, 0, 1, 1], [], []>, transpose_lhs_hint = false} : vector<1024x32xf32>, vector<32x128xf32>, vector<1024x128xf32> -> vector<1024x128xf32>
    %gt3A_76 = arith.cmpf ogt, %dot_general3A_75, %select_n3A_67 : vector<1024x128xf32>
    %select_n3A_77 = arith.select %gt3A_76, %dot_general3A_75, %select_n3A_67 : vector<1024x128xi1>, vector<1024x128xf32>
    %jit3A_78 = arith.constant 6.000000e+00 : f32
    %broadcast_in_dim3A_79 = vector.broadcast %jit3A_78 : f32 to vector<1024x128xf32>
    %select_n3A_80 = arith.select %gt3A_76, %broadcast_in_dim3A_79, %select_n3A_70 : vector<1024x128xi1>, vector<1024x128xf32>
    %get3A_81 = arith.constant 0 : index
    %get3A_82 = arith.constant 896 : index
    %get3A_83 = vector.load %arg4[%get3A_81, %get3A_82] : memref<32x8192xf32, #tpu.memory_space<vmem>>, vector<32x128xf32>
    %dot_general3A_84 = arith.constant dense<0.000000e+00> : vector<1024x128xf32>
    %dot_general3A_85 = tpu.matmul %div3A_9, %get3A_83, %dot_general3A_84 {dimension_numbers = #tpu.dot_dimension_numbers<[1], [0], [0], [1], [0, 0, 1, 1], [], []>, transpose_lhs_hint = false} : vector<1024x32xf32>, vector<32x128xf32>, vector<1024x128xf32> -> vector<1024x128xf32>
    %gt3A_86 = arith.cmpf ogt, %dot_general3A_85, %select_n3A_77 : vector<1024x128xf32>
    %select_n3A_87 = arith.select %gt3A_86, %dot_general3A_85, %select_n3A_77 : vector<1024x128xi1>, vector<1024x128xf32>
    %jit3A_88 = arith.constant 7.000000e+00 : f32
    %broadcast_in_dim3A_89 = vector.broadcast %jit3A_88 : f32 to vector<1024x128xf32>
    %select_n3A_90 = arith.select %gt3A_86, %broadcast_in_dim3A_89, %select_n3A_80 : vector<1024x128xi1>, vector<1024x128xf32>
    %get3A_91 = arith.constant 0 : index
    %get3A_92 = arith.constant 1024 : index
    %get3A_93 = vector.load %arg4[%get3A_91, %get3A_92] : memref<32x8192xf32, #tpu.memory_space<vmem>>, vector<32x128xf32>
    %dot_general3A_94 = arith.constant dense<0.000000e+00> : vector<1024x128xf32>
    %dot_general3A_95 = tpu.matmul %div3A_9, %get3A_93, %dot_general3A_94 {dimension_numbers = #tpu.dot_dimension_numbers<[1], [0], [0], [1], [0, 0, 1, 1], [], []>, transpose_lhs_hint = false} : vector<1024x32xf32>, vector<32x128xf32>, vector<1024x128xf32> -> vector<1024x128xf32>
    %gt3A_96 = arith.cmpf ogt, %dot_general3A_95, %select_n3A_87 : vector<1024x128xf32>
    %select_n3A_97 = arith.select %gt3A_96, %dot_general3A_95, %select_n3A_87 : vector<1024x128xi1>, vector<1024x128xf32>
    %jit3A_98 = arith.constant 8.000000e+00 : f32
    %broadcast_in_dim3A_99 = vector.broadcast %jit3A_98 : f32 to vector<1024x128xf32>
    %select_n3A_100 = arith.select %gt3A_96, %broadcast_in_dim3A_99, %select_n3A_90 : vector<1024x128xi1>, vector<1024x128xf32>
    %get3A_101 = arith.constant 0 : index
    %get3A_102 = arith.constant 1152 : index
    %get3A_103 = vector.load %arg4[%get3A_101, %get3A_102] : memref<32x8192xf32, #tpu.memory_space<vmem>>, vector<32x128xf32>
    %dot_general3A_104 = arith.constant dense<0.000000e+00> : vector<1024x128xf32>
    %dot_general3A_105 = tpu.matmul %div3A_9, %get3A_103, %dot_general3A_104 {dimension_numbers = #tpu.dot_dimension_numbers<[1], [0], [0], [1], [0, 0, 1, 1], [], []>, transpose_lhs_hint = false} : vector<1024x32xf32>, vector<32x128xf32>, vector<1024x128xf32> -> vector<1024x128xf32>
    %gt3A_106 = arith.cmpf ogt, %dot_general3A_105, %select_n3A_97 : vector<1024x128xf32>
    %select_n3A_107 = arith.select %gt3A_106, %dot_general3A_105, %select_n3A_97 : vector<1024x128xi1>, vector<1024x128xf32>
    %jit3A_108 = arith.constant 9.000000e+00 : f32
    %broadcast_in_dim3A_109 = vector.broadcast %jit3A_108 : f32 to vector<1024x128xf32>
    %select_n3A_110 = arith.select %gt3A_106, %broadcast_in_dim3A_109, %select_n3A_100 : vector<1024x128xi1>, vector<1024x128xf32>
    %get3A_111 = arith.constant 0 : index
    %get3A_112 = arith.constant 1280 : index
    %get3A_113 = vector.load %arg4[%get3A_111, %get3A_112] : memref<32x8192xf32, #tpu.memory_space<vmem>>, vector<32x128xf32>
    %dot_general3A_114 = arith.constant dense<0.000000e+00> : vector<1024x128xf32>
    %dot_general3A_115 = tpu.matmul %div3A_9, %get3A_113, %dot_general3A_114 {dimension_numbers = #tpu.dot_dimension_numbers<[1], [0], [0], [1], [0, 0, 1, 1], [], []>, transpose_lhs_hint = false} : vector<1024x32xf32>, vector<32x128xf32>, vector<1024x128xf32> -> vector<1024x128xf32>
    %gt3A_116 = arith.cmpf ogt, %dot_general3A_115, %select_n3A_107 : vector<1024x128xf32>
    %select_n3A_117 = arith.select %gt3A_116, %dot_general3A_115, %select_n3A_107 : vector<1024x128xi1>, vector<1024x128xf32>
    %jit3A_118 = arith.constant 1.000000e+01 : f32
    %broadcast_in_dim3A_119 = vector.broadcast %jit3A_118 : f32 to vector<1024x128xf32>
    %select_n3A_120 = arith.select %gt3A_116, %broadcast_in_dim3A_119, %select_n3A_110 : vector<1024x128xi1>, vector<1024x128xf32>
    %get3A_121 = arith.constant 0 : index
    %get3A_122 = arith.constant 1408 : index
    %get3A_123 = vector.load %arg4[%get3A_121, %get3A_122] : memref<32x8192xf32, #tpu.memory_space<vmem>>, vector<32x128xf32>
    %dot_general3A_124 = arith.constant dense<0.000000e+00> : vector<1024x128xf32>
    %dot_general3A_125 = tpu.matmul %div3A_9, %get3A_123, %dot_general3A_124 {dimension_numbers = #tpu.dot_dimension_numbers<[1], [0], [0], [1], [0, 0, 1, 1], [], []>, transpose_lhs_hint = false} : vector<1024x32xf32>, vector<32x128xf32>, vector<1024x128xf32> -> vector<1024x128xf32>
    %gt3A_126 = arith.cmpf ogt, %dot_general3A_125, %select_n3A_117 : vector<1024x128xf32>
    %select_n3A_127 = arith.select %gt3A_126, %dot_general3A_125, %select_n3A_117 : vector<1024x128xi1>, vector<1024x128xf32>
    %jit3A_128 = arith.constant 1.100000e+01 : f32
    %broadcast_in_dim3A_129 = vector.broadcast %jit3A_128 : f32 to vector<1024x128xf32>
    %select_n3A_130 = arith.select %gt3A_126, %broadcast_in_dim3A_129, %select_n3A_120 : vector<1024x128xi1>, vector<1024x128xf32>
    %get3A_131 = arith.constant 0 : index
    %get3A_132 = arith.constant 1536 : index
    %get3A_133 = vector.load %arg4[%get3A_131, %get3A_132] : memref<32x8192xf32, #tpu.memory_space<vmem>>, vector<32x128xf32>
    %dot_general3A_134 = arith.constant dense<0.000000e+00> : vector<1024x128xf32>
    %dot_general3A_135 = tpu.matmul %div3A_9, %get3A_133, %dot_general3A_134 {dimension_numbers = #tpu.dot_dimension_numbers<[1], [0], [0], [1], [0, 0, 1, 1], [], []>, transpose_lhs_hint = false} : vector<1024x32xf32>, vector<32x128xf32>, vector<1024x128xf32> -> vector<1024x128xf32>
    %gt3A_136 = arith.cmpf ogt, %dot_general3A_135, %select_n3A_127 : vector<1024x128xf32>
    %select_n3A_137 = arith.select %gt3A_136, %dot_general3A_135, %select_n3A_127 : vector<1024x128xi1>, vector<1024x128xf32>
    %jit3A_138 = arith.constant 1.200000e+01 : f32
    %broadcast_in_dim3A_139 = vector.broadcast %jit3A_138 : f32 to vector<1024x128xf32>
    %select_n3A_140 = arith.select %gt3A_136, %broadcast_in_dim3A_139, %select_n3A_130 : vector<1024x128xi1>, vector<1024x128xf32>
    %get3A_141 = arith.constant 0 : index
    %get3A_142 = arith.constant 1664 : index
    %get3A_143 = vector.load %arg4[%get3A_141, %get3A_142] : memref<32x8192xf32, #tpu.memory_space<vmem>>, vector<32x128xf32>
    %dot_general3A_144 = arith.constant dense<0.000000e+00> : vector<1024x128xf32>
    %dot_general3A_145 = tpu.matmul %div3A_9, %get3A_143, %dot_general3A_144 {dimension_numbers = #tpu.dot_dimension_numbers<[1], [0], [0], [1], [0, 0, 1, 1], [], []>, transpose_lhs_hint = false} : vector<1024x32xf32>, vector<32x128xf32>, vector<1024x128xf32> -> vector<1024x128xf32>
    %gt3A_146 = arith.cmpf ogt, %dot_general3A_145, %select_n3A_137 : vector<1024x128xf32>
    %select_n3A_147 = arith.select %gt3A_146, %dot_general3A_145, %select_n3A_137 : vector<1024x128xi1>, vector<1024x128xf32>
    %jit3A_148 = arith.constant 1.300000e+01 : f32
    %broadcast_in_dim3A_149 = vector.broadcast %jit3A_148 : f32 to vector<1024x128xf32>
    %select_n3A_150 = arith.select %gt3A_146, %broadcast_in_dim3A_149, %select_n3A_140 : vector<1024x128xi1>, vector<1024x128xf32>
    %get3A_151 = arith.constant 0 : index
    %get3A_152 = arith.constant 1792 : index
    %get3A_153 = vector.load %arg4[%get3A_151, %get3A_152] : memref<32x8192xf32, #tpu.memory_space<vmem>>, vector<32x128xf32>
    %dot_general3A_154 = arith.constant dense<0.000000e+00> : vector<1024x128xf32>
    %dot_general3A_155 = tpu.matmul %div3A_9, %get3A_153, %dot_general3A_154 {dimension_numbers = #tpu.dot_dimension_numbers<[1], [0], [0], [1], [0, 0, 1, 1], [], []>, transpose_lhs_hint = false} : vector<1024x32xf32>, vector<32x128xf32>, vector<1024x128xf32> -> vector<1024x128xf32>
    %gt3A_156 = arith.cmpf ogt, %dot_general3A_155, %select_n3A_147 : vector<1024x128xf32>
    %select_n3A_157 = arith.select %gt3A_156, %dot_general3A_155, %select_n3A_147 : vector<1024x128xi1>, vector<1024x128xf32>
    %jit3A_158 = arith.constant 1.400000e+01 : f32
    %broadcast_in_dim3A_159 = vector.broadcast %jit3A_158 : f32 to vector<1024x128xf32>
    %select_n3A_160 = arith.select %gt3A_156, %broadcast_in_dim3A_159, %select_n3A_150 : vector<1024x128xi1>, vector<1024x128xf32>
    %get3A_161 = arith.constant 0 : index
    %get3A_162 = arith.constant 1920 : index
    %get3A_163 = vector.load %arg4[%get3A_161, %get3A_162] : memref<32x8192xf32, #tpu.memory_space<vmem>>, vector<32x128xf32>
    %dot_general3A_164 = arith.constant dense<0.000000e+00> : vector<1024x128xf32>
    %dot_general3A_165 = tpu.matmul %div3A_9, %get3A_163, %dot_general3A_164 {dimension_numbers = #tpu.dot_dimension_numbers<[1], [0], [0], [1], [0, 0, 1, 1], [], []>, transpose_lhs_hint = false} : vector<1024x32xf32>, vector<32x128xf32>, vector<1024x128xf32> -> vector<1024x128xf32>
    %gt3A_166 = arith.cmpf ogt, %dot_general3A_165, %select_n3A_157 : vector<1024x128xf32>
    %select_n3A_167 = arith.select %gt3A_166, %dot_general3A_165, %select_n3A_157 : vector<1024x128xi1>, vector<1024x128xf32>
    %jit3A_168 = arith.constant 1.500000e+01 : f32
    %broadcast_in_dim3A_169 = vector.broadcast %jit3A_168 : f32 to vector<1024x128xf32>
    %select_n3A_170 = arith.select %gt3A_166, %broadcast_in_dim3A_169, %select_n3A_160 : vector<1024x128xi1>, vector<1024x128xf32>
    %get3A_171 = arith.constant 0 : index
    %get3A_172 = arith.constant 2048 : index
    %get3A_173 = vector.load %arg4[%get3A_171, %get3A_172] : memref<32x8192xf32, #tpu.memory_space<vmem>>, vector<32x128xf32>
    %dot_general3A_174 = arith.constant dense<0.000000e+00> : vector<1024x128xf32>
    %dot_general3A_175 = tpu.matmul %div3A_9, %get3A_173, %dot_general3A_174 {dimension_numbers = #tpu.dot_dimension_numbers<[1], [0], [0], [1], [0, 0, 1, 1], [], []>, transpose_lhs_hint = false} : vector<1024x32xf32>, vector<32x128xf32>, vector<1024x128xf32> -> vector<1024x128xf32>
    %gt3A_176 = arith.cmpf ogt, %dot_general3A_175, %select_n3A_167 : vector<1024x128xf32>
    %select_n3A_177 = arith.select %gt3A_176, %dot_general3A_175, %select_n3A_167 : vector<1024x128xi1>, vector<1024x128xf32>
    %jit3A_178 = arith.constant 1.600000e+01 : f32
    %broadcast_in_dim3A_179 = vector.broadcast %jit3A_178 : f32 to vector<1024x128xf32>
    %select_n3A_180 = arith.select %gt3A_176, %broadcast_in_dim3A_179, %select_n3A_170 : vector<1024x128xi1>, vector<1024x128xf32>
    %get3A_181 = arith.constant 0 : index
    %get3A_182 = arith.constant 2176 : index
    %get3A_183 = vector.load %arg4[%get3A_181, %get3A_182] : memref<32x8192xf32, #tpu.memory_space<vmem>>, vector<32x128xf32>
    %dot_general3A_184 = arith.constant dense<0.000000e+00> : vector<1024x128xf32>
    %dot_general3A_185 = tpu.matmul %div3A_9, %get3A_183, %dot_general3A_184 {dimension_numbers = #tpu.dot_dimension_numbers<[1], [0], [0], [1], [0, 0, 1, 1], [], []>, transpose_lhs_hint = false} : vector<1024x32xf32>, vector<32x128xf32>, vector<1024x128xf32> -> vector<1024x128xf32>
    %gt3A_186 = arith.cmpf ogt, %dot_general3A_185, %select_n3A_177 : vector<1024x128xf32>
    %select_n3A_187 = arith.select %gt3A_186, %dot_general3A_185, %select_n3A_177 : vector<1024x128xi1>, vector<1024x128xf32>
    %jit3A_188 = arith.constant 1.700000e+01 : f32
    %broadcast_in_dim3A_189 = vector.broadcast %jit3A_188 : f32 to vector<1024x128xf32>
    %select_n3A_190 = arith.select %gt3A_186, %broadcast_in_dim3A_189, %select_n3A_180 : vector<1024x128xi1>, vector<1024x128xf32>
    %get3A_191 = arith.constant 0 : index
    %get3A_192 = arith.constant 2304 : index
    %get3A_193 = vector.load %arg4[%get3A_191, %get3A_192] : memref<32x8192xf32, #tpu.memory_space<vmem>>, vector<32x128xf32>
    %dot_general3A_194 = arith.constant dense<0.000000e+00> : vector<1024x128xf32>
    %dot_general3A_195 = tpu.matmul %div3A_9, %get3A_193, %dot_general3A_194 {dimension_numbers = #tpu.dot_dimension_numbers<[1], [0], [0], [1], [0, 0, 1, 1], [], []>, transpose_lhs_hint = false} : vector<1024x32xf32>, vector<32x128xf32>, vector<1024x128xf32> -> vector<1024x128xf32>
    %gt3A_196 = arith.cmpf ogt, %dot_general3A_195, %select_n3A_187 : vector<1024x128xf32>
    %select_n3A_197 = arith.select %gt3A_196, %dot_general3A_195, %select_n3A_187 : vector<1024x128xi1>, vector<1024x128xf32>
    %jit3A_198 = arith.constant 1.800000e+01 : f32
    %broadcast_in_dim3A_199 = vector.broadcast %jit3A_198 : f32 to vector<1024x128xf32>
    %select_n3A_200 = arith.select %gt3A_196, %broadcast_in_dim3A_199, %select_n3A_190 : vector<1024x128xi1>, vector<1024x128xf32>
    %get3A_201 = arith.constant 0 : index
    %get3A_202 = arith.constant 2432 : index
    %get3A_203 = vector.load %arg4[%get3A_201, %get3A_202] : memref<32x8192xf32, #tpu.memory_space<vmem>>, vector<32x128xf32>
    %dot_general3A_204 = arith.constant dense<0.000000e+00> : vector<1024x128xf32>
    %dot_general3A_205 = tpu.matmul %div3A_9, %get3A_203, %dot_general3A_204 {dimension_numbers = #tpu.dot_dimension_numbers<[1], [0], [0], [1], [0, 0, 1, 1], [], []>, transpose_lhs_hint = false} : vector<1024x32xf32>, vector<32x128xf32>, vector<1024x128xf32> -> vector<1024x128xf32>
    %gt3A_206 = arith.cmpf ogt, %dot_general3A_205, %select_n3A_197 : vector<1024x128xf32>
    %select_n3A_207 = arith.select %gt3A_206, %dot_general3A_205, %select_n3A_197 : vector<1024x128xi1>, vector<1024x128xf32>
    %jit3A_208 = arith.constant 1.900000e+01 : f32
    %broadcast_in_dim3A_209 = vector.broadcast %jit3A_208 : f32 to vector<1024x128xf32>
    %select_n3A_210 = arith.select %gt3A_206, %broadcast_in_dim3A_209, %select_n3A_200 : vector<1024x128xi1>, vector<1024x128xf32>
    %get3A_211 = arith.constant 0 : index
    %get3A_212 = arith.constant 2560 : index
    %get3A_213 = vector.load %arg4[%get3A_211, %get3A_212] : memref<32x8192xf32, #tpu.memory_space<vmem>>, vector<32x128xf32>
    %dot_general3A_214 = arith.constant dense<0.000000e+00> : vector<1024x128xf32>
    %dot_general3A_215 = tpu.matmul %div3A_9, %get3A_213, %dot_general3A_214 {dimension_numbers = #tpu.dot_dimension_numbers<[1], [0], [0], [1], [0, 0, 1, 1], [], []>, transpose_lhs_hint = false} : vector<1024x32xf32>, vector<32x128xf32>, vector<1024x128xf32> -> vector<1024x128xf32>
    %gt3A_216 = arith.cmpf ogt, %dot_general3A_215, %select_n3A_207 : vector<1024x128xf32>
    %select_n3A_217 = arith.select %gt3A_216, %dot_general3A_215, %select_n3A_207 : vector<1024x128xi1>, vector<1024x128xf32>
    %jit3A_218 = arith.constant 2.000000e+01 : f32
    %broadcast_in_dim3A_219 = vector.broadcast %jit3A_218 : f32 to vector<1024x128xf32>
    %select_n3A_220 = arith.select %gt3A_216, %broadcast_in_dim3A_219, %select_n3A_210 : vector<1024x128xi1>, vector<1024x128xf32>
    %get3A_221 = arith.constant 0 : index
    %get3A_222 = arith.constant 2688 : index
    %get3A_223 = vector.load %arg4[%get3A_221, %get3A_222] : memref<32x8192xf32, #tpu.memory_space<vmem>>, vector<32x128xf32>
    %dot_general3A_224 = arith.constant dense<0.000000e+00> : vector<1024x128xf32>
    %dot_general3A_225 = tpu.matmul %div3A_9, %get3A_223, %dot_general3A_224 {dimension_numbers = #tpu.dot_dimension_numbers<[1], [0], [0], [1], [0, 0, 1, 1], [], []>, transpose_lhs_hint = false} : vector<1024x32xf32>, vector<32x128xf32>, vector<1024x128xf32> -> vector<1024x128xf32>
    %gt3A_226 = arith.cmpf ogt, %dot_general3A_225, %select_n3A_217 : vector<1024x128xf32>
    %select_n3A_227 = arith.select %gt3A_226, %dot_general3A_225, %select_n3A_217 : vector<1024x128xi1>, vector<1024x128xf32>
    %jit3A_228 = arith.constant 2.100000e+01 : f32
    %broadcast_in_dim3A_229 = vector.broadcast %jit3A_228 : f32 to vector<1024x128xf32>
    %select_n3A_230 = arith.select %gt3A_226, %broadcast_in_dim3A_229, %select_n3A_220 : vector<1024x128xi1>, vector<1024x128xf32>
    %get3A_231 = arith.constant 0 : index
    %get3A_232 = arith.constant 2816 : index
    %get3A_233 = vector.load %arg4[%get3A_231, %get3A_232] : memref<32x8192xf32, #tpu.memory_space<vmem>>, vector<32x128xf32>
    %dot_general3A_234 = arith.constant dense<0.000000e+00> : vector<1024x128xf32>
    %dot_general3A_235 = tpu.matmul %div3A_9, %get3A_233, %dot_general3A_234 {dimension_numbers = #tpu.dot_dimension_numbers<[1], [0], [0], [1], [0, 0, 1, 1], [], []>, transpose_lhs_hint = false} : vector<1024x32xf32>, vector<32x128xf32>, vector<1024x128xf32> -> vector<1024x128xf32>
    %gt3A_236 = arith.cmpf ogt, %dot_general3A_235, %select_n3A_227 : vector<1024x128xf32>
    %select_n3A_237 = arith.select %gt3A_236, %dot_general3A_235, %select_n3A_227 : vector<1024x128xi1>, vector<1024x128xf32>
    %jit3A_238 = arith.constant 2.200000e+01 : f32
    %broadcast_in_dim3A_239 = vector.broadcast %jit3A_238 : f32 to vector<1024x128xf32>
    %select_n3A_240 = arith.select %gt3A_236, %broadcast_in_dim3A_239, %select_n3A_230 : vector<1024x128xi1>, vector<1024x128xf32>
    %get3A_241 = arith.constant 0 : index
    %get3A_242 = arith.constant 2944 : index
    %get3A_243 = vector.load %arg4[%get3A_241, %get3A_242] : memref<32x8192xf32, #tpu.memory_space<vmem>>, vector<32x128xf32>
    %dot_general3A_244 = arith.constant dense<0.000000e+00> : vector<1024x128xf32>
    %dot_general3A_245 = tpu.matmul %div3A_9, %get3A_243, %dot_general3A_244 {dimension_numbers = #tpu.dot_dimension_numbers<[1], [0], [0], [1], [0, 0, 1, 1], [], []>, transpose_lhs_hint = false} : vector<1024x32xf32>, vector<32x128xf32>, vector<1024x128xf32> -> vector<1024x128xf32>
    %gt3A_246 = arith.cmpf ogt, %dot_general3A_245, %select_n3A_237 : vector<1024x128xf32>
    %select_n3A_247 = arith.select %gt3A_246, %dot_general3A_245, %select_n3A_237 : vector<1024x128xi1>, vector<1024x128xf32>
    %jit3A_248 = arith.constant 2.300000e+01 : f32
    %broadcast_in_dim3A_249 = vector.broadcast %jit3A_248 : f32 to vector<1024x128xf32>
    %select_n3A_250 = arith.select %gt3A_246, %broadcast_in_dim3A_249, %select_n3A_240 : vector<1024x128xi1>, vector<1024x128xf32>
    %get3A_251 = arith.constant 0 : index
    %get3A_252 = arith.constant 3072 : index
    %get3A_253 = vector.load %arg4[%get3A_251, %get3A_252] : memref<32x8192xf32, #tpu.memory_space<vmem>>, vector<32x128xf32>
    %dot_general3A_254 = arith.constant dense<0.000000e+00> : vector<1024x128xf32>
    %dot_general3A_255 = tpu.matmul %div3A_9, %get3A_253, %dot_general3A_254 {dimension_numbers = #tpu.dot_dimension_numbers<[1], [0], [0], [1], [0, 0, 1, 1], [], []>, transpose_lhs_hint = false} : vector<1024x32xf32>, vector<32x128xf32>, vector<1024x128xf32> -> vector<1024x128xf32>
    %gt3A_256 = arith.cmpf ogt, %dot_general3A_255, %select_n3A_247 : vector<1024x128xf32>
    %select_n3A_257 = arith.select %gt3A_256, %dot_general3A_255, %select_n3A_247 : vector<1024x128xi1>, vector<1024x128xf32>
    %jit3A_258 = arith.constant 2.400000e+01 : f32
    %broadcast_in_dim3A_259 = vector.broadcast %jit3A_258 : f32 to vector<1024x128xf32>
    %select_n3A_260 = arith.select %gt3A_256, %broadcast_in_dim3A_259, %select_n3A_250 : vector<1024x128xi1>, vector<1024x128xf32>
    %get3A_261 = arith.constant 0 : index
    %get3A_262 = arith.constant 3200 : index
    %get3A_263 = vector.load %arg4[%get3A_261, %get3A_262] : memref<32x8192xf32, #tpu.memory_space<vmem>>, vector<32x128xf32>
    %dot_general3A_264 = arith.constant dense<0.000000e+00> : vector<1024x128xf32>
    %dot_general3A_265 = tpu.matmul %div3A_9, %get3A_263, %dot_general3A_264 {dimension_numbers = #tpu.dot_dimension_numbers<[1], [0], [0], [1], [0, 0, 1, 1], [], []>, transpose_lhs_hint = false} : vector<1024x32xf32>, vector<32x128xf32>, vector<1024x128xf32> -> vector<1024x128xf32>
    %gt3A_266 = arith.cmpf ogt, %dot_general3A_265, %select_n3A_257 : vector<1024x128xf32>
    %select_n3A_267 = arith.select %gt3A_266, %dot_general3A_265, %select_n3A_257 : vector<1024x128xi1>, vector<1024x128xf32>
    %jit3A_268 = arith.constant 2.500000e+01 : f32
    %broadcast_in_dim3A_269 = vector.broadcast %jit3A_268 : f32 to vector<1024x128xf32>
    %select_n3A_270 = arith.select %gt3A_266, %broadcast_in_dim3A_269, %select_n3A_260 : vector<1024x128xi1>, vector<1024x128xf32>
    %get3A_271 = arith.constant 0 : index
    %get3A_272 = arith.constant 3328 : index
    %get3A_273 = vector.load %arg4[%get3A_271, %get3A_272] : memref<32x8192xf32, #tpu.memory_space<vmem>>, vector<32x128xf32>
    %dot_general3A_274 = arith.constant dense<0.000000e+00> : vector<1024x128xf32>
    %dot_general3A_275 = tpu.matmul %div3A_9, %get3A_273, %dot_general3A_274 {dimension_numbers = #tpu.dot_dimension_numbers<[1], [0], [0], [1], [0, 0, 1, 1], [], []>, transpose_lhs_hint = false} : vector<1024x32xf32>, vector<32x128xf32>, vector<1024x128xf32> -> vector<1024x128xf32>
    %gt3A_276 = arith.cmpf ogt, %dot_general3A_275, %select_n3A_267 : vector<1024x128xf32>
    %select_n3A_277 = arith.select %gt3A_276, %dot_general3A_275, %select_n3A_267 : vector<1024x128xi1>, vector<1024x128xf32>
    %jit3A_278 = arith.constant 2.600000e+01 : f32
    %broadcast_in_dim3A_279 = vector.broadcast %jit3A_278 : f32 to vector<1024x128xf32>
    %select_n3A_280 = arith.select %gt3A_276, %broadcast_in_dim3A_279, %select_n3A_270 : vector<1024x128xi1>, vector<1024x128xf32>
    %get3A_281 = arith.constant 0 : index
    %get3A_282 = arith.constant 3456 : index
    %get3A_283 = vector.load %arg4[%get3A_281, %get3A_282] : memref<32x8192xf32, #tpu.memory_space<vmem>>, vector<32x128xf32>
    %dot_general3A_284 = arith.constant dense<0.000000e+00> : vector<1024x128xf32>
    %dot_general3A_285 = tpu.matmul %div3A_9, %get3A_283, %dot_general3A_284 {dimension_numbers = #tpu.dot_dimension_numbers<[1], [0], [0], [1], [0, 0, 1, 1], [], []>, transpose_lhs_hint = false} : vector<1024x32xf32>, vector<32x128xf32>, vector<1024x128xf32> -> vector<1024x128xf32>
    %gt3A_286 = arith.cmpf ogt, %dot_general3A_285, %select_n3A_277 : vector<1024x128xf32>
    %select_n3A_287 = arith.select %gt3A_286, %dot_general3A_285, %select_n3A_277 : vector<1024x128xi1>, vector<1024x128xf32>
    %jit3A_288 = arith.constant 2.700000e+01 : f32
    %broadcast_in_dim3A_289 = vector.broadcast %jit3A_288 : f32 to vector<1024x128xf32>
    %select_n3A_290 = arith.select %gt3A_286, %broadcast_in_dim3A_289, %select_n3A_280 : vector<1024x128xi1>, vector<1024x128xf32>
    %get3A_291 = arith.constant 0 : index
    %get3A_292 = arith.constant 3584 : index
    %get3A_293 = vector.load %arg4[%get3A_291, %get3A_292] : memref<32x8192xf32, #tpu.memory_space<vmem>>, vector<32x128xf32>
    %dot_general3A_294 = arith.constant dense<0.000000e+00> : vector<1024x128xf32>
    %dot_general3A_295 = tpu.matmul %div3A_9, %get3A_293, %dot_general3A_294 {dimension_numbers = #tpu.dot_dimension_numbers<[1], [0], [0], [1], [0, 0, 1, 1], [], []>, transpose_lhs_hint = false} : vector<1024x32xf32>, vector<32x128xf32>, vector<1024x128xf32> -> vector<1024x128xf32>
    %gt3A_296 = arith.cmpf ogt, %dot_general3A_295, %select_n3A_287 : vector<1024x128xf32>
    %select_n3A_297 = arith.select %gt3A_296, %dot_general3A_295, %select_n3A_287 : vector<1024x128xi1>, vector<1024x128xf32>
    %jit3A_298 = arith.constant 2.800000e+01 : f32
    %broadcast_in_dim3A_299 = vector.broadcast %jit3A_298 : f32 to vector<1024x128xf32>
    %select_n3A_300 = arith.select %gt3A_296, %broadcast_in_dim3A_299, %select_n3A_290 : vector<1024x128xi1>, vector<1024x128xf32>
    %get3A_301 = arith.constant 0 : index
    %get3A_302 = arith.constant 3712 : index
    %get3A_303 = vector.load %arg4[%get3A_301, %get3A_302] : memref<32x8192xf32, #tpu.memory_space<vmem>>, vector<32x128xf32>
    %dot_general3A_304 = arith.constant dense<0.000000e+00> : vector<1024x128xf32>
    %dot_general3A_305 = tpu.matmul %div3A_9, %get3A_303, %dot_general3A_304 {dimension_numbers = #tpu.dot_dimension_numbers<[1], [0], [0], [1], [0, 0, 1, 1], [], []>, transpose_lhs_hint = false} : vector<1024x32xf32>, vector<32x128xf32>, vector<1024x128xf32> -> vector<1024x128xf32>
    %gt3A_306 = arith.cmpf ogt, %dot_general3A_305, %select_n3A_297 : vector<1024x128xf32>
    %select_n3A_307 = arith.select %gt3A_306, %dot_general3A_305, %select_n3A_297 : vector<1024x128xi1>, vector<1024x128xf32>
    %jit3A_308 = arith.constant 2.900000e+01 : f32
    %broadcast_in_dim3A_309 = vector.broadcast %jit3A_308 : f32 to vector<1024x128xf32>
    %select_n3A_310 = arith.select %gt3A_306, %broadcast_in_dim3A_309, %select_n3A_300 : vector<1024x128xi1>, vector<1024x128xf32>
    %get3A_311 = arith.constant 0 : index
    %get3A_312 = arith.constant 3840 : index
    %get3A_313 = vector.load %arg4[%get3A_311, %get3A_312] : memref<32x8192xf32, #tpu.memory_space<vmem>>, vector<32x128xf32>
    %dot_general3A_314 = arith.constant dense<0.000000e+00> : vector<1024x128xf32>
    %dot_general3A_315 = tpu.matmul %div3A_9, %get3A_313, %dot_general3A_314 {dimension_numbers = #tpu.dot_dimension_numbers<[1], [0], [0], [1], [0, 0, 1, 1], [], []>, transpose_lhs_hint = false} : vector<1024x32xf32>, vector<32x128xf32>, vector<1024x128xf32> -> vector<1024x128xf32>
    %gt3A_316 = arith.cmpf ogt, %dot_general3A_315, %select_n3A_307 : vector<1024x128xf32>
    %select_n3A_317 = arith.select %gt3A_316, %dot_general3A_315, %select_n3A_307 : vector<1024x128xi1>, vector<1024x128xf32>
    %jit3A_318 = arith.constant 3.000000e+01 : f32
    %broadcast_in_dim3A_319 = vector.broadcast %jit3A_318 : f32 to vector<1024x128xf32>
    %select_n3A_320 = arith.select %gt3A_316, %broadcast_in_dim3A_319, %select_n3A_310 : vector<1024x128xi1>, vector<1024x128xf32>
    %get3A_321 = arith.constant 0 : index
    %get3A_322 = arith.constant 3968 : index
    %get3A_323 = vector.load %arg4[%get3A_321, %get3A_322] : memref<32x8192xf32, #tpu.memory_space<vmem>>, vector<32x128xf32>
    %dot_general3A_324 = arith.constant dense<0.000000e+00> : vector<1024x128xf32>
    %dot_general3A_325 = tpu.matmul %div3A_9, %get3A_323, %dot_general3A_324 {dimension_numbers = #tpu.dot_dimension_numbers<[1], [0], [0], [1], [0, 0, 1, 1], [], []>, transpose_lhs_hint = false} : vector<1024x32xf32>, vector<32x128xf32>, vector<1024x128xf32> -> vector<1024x128xf32>
    %gt3A_326 = arith.cmpf ogt, %dot_general3A_325, %select_n3A_317 : vector<1024x128xf32>
    %select_n3A_327 = arith.select %gt3A_326, %dot_general3A_325, %select_n3A_317 : vector<1024x128xi1>, vector<1024x128xf32>
    %jit3A_328 = arith.constant 3.100000e+01 : f32
    %broadcast_in_dim3A_329 = vector.broadcast %jit3A_328 : f32 to vector<1024x128xf32>
    %select_n3A_330 = arith.select %gt3A_326, %broadcast_in_dim3A_329, %select_n3A_320 : vector<1024x128xi1>, vector<1024x128xf32>
    %get3A_331 = arith.constant 0 : index
    %get3A_332 = arith.constant 4096 : index
    %get3A_333 = vector.load %arg4[%get3A_331, %get3A_332] : memref<32x8192xf32, #tpu.memory_space<vmem>>, vector<32x128xf32>
    %dot_general3A_334 = arith.constant dense<0.000000e+00> : vector<1024x128xf32>
    %dot_general3A_335 = tpu.matmul %div3A_9, %get3A_333, %dot_general3A_334 {dimension_numbers = #tpu.dot_dimension_numbers<[1], [0], [0], [1], [0, 0, 1, 1], [], []>, transpose_lhs_hint = false} : vector<1024x32xf32>, vector<32x128xf32>, vector<1024x128xf32> -> vector<1024x128xf32>
    %gt3A_336 = arith.cmpf ogt, %dot_general3A_335, %select_n3A_327 : vector<1024x128xf32>
    %select_n3A_337 = arith.select %gt3A_336, %dot_general3A_335, %select_n3A_327 : vector<1024x128xi1>, vector<1024x128xf32>
    %jit3A_338 = arith.constant 3.200000e+01 : f32
    %broadcast_in_dim3A_339 = vector.broadcast %jit3A_338 : f32 to vector<1024x128xf32>
    %select_n3A_340 = arith.select %gt3A_336, %broadcast_in_dim3A_339, %select_n3A_330 : vector<1024x128xi1>, vector<1024x128xf32>
    %get3A_341 = arith.constant 0 : index
    %get3A_342 = arith.constant 4224 : index
    %get3A_343 = vector.load %arg4[%get3A_341, %get3A_342] : memref<32x8192xf32, #tpu.memory_space<vmem>>, vector<32x128xf32>
    %dot_general3A_344 = arith.constant dense<0.000000e+00> : vector<1024x128xf32>
    %dot_general3A_345 = tpu.matmul %div3A_9, %get3A_343, %dot_general3A_344 {dimension_numbers = #tpu.dot_dimension_numbers<[1], [0], [0], [1], [0, 0, 1, 1], [], []>, transpose_lhs_hint = false} : vector<1024x32xf32>, vector<32x128xf32>, vector<1024x128xf32> -> vector<1024x128xf32>
    %gt3A_346 = arith.cmpf ogt, %dot_general3A_345, %select_n3A_337 : vector<1024x128xf32>
    %select_n3A_347 = arith.select %gt3A_346, %dot_general3A_345, %select_n3A_337 : vector<1024x128xi1>, vector<1024x128xf32>
    %jit3A_348 = arith.constant 3.300000e+01 : f32
    %broadcast_in_dim3A_349 = vector.broadcast %jit3A_348 : f32 to vector<1024x128xf32>
    %select_n3A_350 = arith.select %gt3A_346, %broadcast_in_dim3A_349, %select_n3A_340 : vector<1024x128xi1>, vector<1024x128xf32>
    %get3A_351 = arith.constant 0 : index
    %get3A_352 = arith.constant 4352 : index
    %get3A_353 = vector.load %arg4[%get3A_351, %get3A_352] : memref<32x8192xf32, #tpu.memory_space<vmem>>, vector<32x128xf32>
    %dot_general3A_354 = arith.constant dense<0.000000e+00> : vector<1024x128xf32>
    %dot_general3A_355 = tpu.matmul %div3A_9, %get3A_353, %dot_general3A_354 {dimension_numbers = #tpu.dot_dimension_numbers<[1], [0], [0], [1], [0, 0, 1, 1], [], []>, transpose_lhs_hint = false} : vector<1024x32xf32>, vector<32x128xf32>, vector<1024x128xf32> -> vector<1024x128xf32>
    %gt3A_356 = arith.cmpf ogt, %dot_general3A_355, %select_n3A_347 : vector<1024x128xf32>
    %select_n3A_357 = arith.select %gt3A_356, %dot_general3A_355, %select_n3A_347 : vector<1024x128xi1>, vector<1024x128xf32>
    %jit3A_358 = arith.constant 3.400000e+01 : f32
    %broadcast_in_dim3A_359 = vector.broadcast %jit3A_358 : f32 to vector<1024x128xf32>
    %select_n3A_360 = arith.select %gt3A_356, %broadcast_in_dim3A_359, %select_n3A_350 : vector<1024x128xi1>, vector<1024x128xf32>
    %get3A_361 = arith.constant 0 : index
    %get3A_362 = arith.constant 4480 : index
    %get3A_363 = vector.load %arg4[%get3A_361, %get3A_362] : memref<32x8192xf32, #tpu.memory_space<vmem>>, vector<32x128xf32>
    %dot_general3A_364 = arith.constant dense<0.000000e+00> : vector<1024x128xf32>
    %dot_general3A_365 = tpu.matmul %div3A_9, %get3A_363, %dot_general3A_364 {dimension_numbers = #tpu.dot_dimension_numbers<[1], [0], [0], [1], [0, 0, 1, 1], [], []>, transpose_lhs_hint = false} : vector<1024x32xf32>, vector<32x128xf32>, vector<1024x128xf32> -> vector<1024x128xf32>
    %gt3A_366 = arith.cmpf ogt, %dot_general3A_365, %select_n3A_357 : vector<1024x128xf32>
    %select_n3A_367 = arith.select %gt3A_366, %dot_general3A_365, %select_n3A_357 : vector<1024x128xi1>, vector<1024x128xf32>
    %jit3A_368 = arith.constant 3.500000e+01 : f32
    %broadcast_in_dim3A_369 = vector.broadcast %jit3A_368 : f32 to vector<1024x128xf32>
    %select_n3A_370 = arith.select %gt3A_366, %broadcast_in_dim3A_369, %select_n3A_360 : vector<1024x128xi1>, vector<1024x128xf32>
    %get3A_371 = arith.constant 0 : index
    %get3A_372 = arith.constant 4608 : index
    %get3A_373 = vector.load %arg4[%get3A_371, %get3A_372] : memref<32x8192xf32, #tpu.memory_space<vmem>>, vector<32x128xf32>
    %dot_general3A_374 = arith.constant dense<0.000000e+00> : vector<1024x128xf32>
    %dot_general3A_375 = tpu.matmul %div3A_9, %get3A_373, %dot_general3A_374 {dimension_numbers = #tpu.dot_dimension_numbers<[1], [0], [0], [1], [0, 0, 1, 1], [], []>, transpose_lhs_hint = false} : vector<1024x32xf32>, vector<32x128xf32>, vector<1024x128xf32> -> vector<1024x128xf32>
    %gt3A_376 = arith.cmpf ogt, %dot_general3A_375, %select_n3A_367 : vector<1024x128xf32>
    %select_n3A_377 = arith.select %gt3A_376, %dot_general3A_375, %select_n3A_367 : vector<1024x128xi1>, vector<1024x128xf32>
    %jit3A_378 = arith.constant 3.600000e+01 : f32
    %broadcast_in_dim3A_379 = vector.broadcast %jit3A_378 : f32 to vector<1024x128xf32>
    %select_n3A_380 = arith.select %gt3A_376, %broadcast_in_dim3A_379, %select_n3A_370 : vector<1024x128xi1>, vector<1024x128xf32>
    %get3A_381 = arith.constant 0 : index
    %get3A_382 = arith.constant 4736 : index
    %get3A_383 = vector.load %arg4[%get3A_381, %get3A_382] : memref<32x8192xf32, #tpu.memory_space<vmem>>, vector<32x128xf32>
    %dot_general3A_384 = arith.constant dense<0.000000e+00> : vector<1024x128xf32>
    %dot_general3A_385 = tpu.matmul %div3A_9, %get3A_383, %dot_general3A_384 {dimension_numbers = #tpu.dot_dimension_numbers<[1], [0], [0], [1], [0, 0, 1, 1], [], []>, transpose_lhs_hint = false} : vector<1024x32xf32>, vector<32x128xf32>, vector<1024x128xf32> -> vector<1024x128xf32>
    %gt3A_386 = arith.cmpf ogt, %dot_general3A_385, %select_n3A_377 : vector<1024x128xf32>
    %select_n3A_387 = arith.select %gt3A_386, %dot_general3A_385, %select_n3A_377 : vector<1024x128xi1>, vector<1024x128xf32>
    %jit3A_388 = arith.constant 3.700000e+01 : f32
    %broadcast_in_dim3A_389 = vector.broadcast %jit3A_388 : f32 to vector<1024x128xf32>
    %select_n3A_390 = arith.select %gt3A_386, %broadcast_in_dim3A_389, %select_n3A_380 : vector<1024x128xi1>, vector<1024x128xf32>
    %get3A_391 = arith.constant 0 : index
    %get3A_392 = arith.constant 4864 : index
    %get3A_393 = vector.load %arg4[%get3A_391, %get3A_392] : memref<32x8192xf32, #tpu.memory_space<vmem>>, vector<32x128xf32>
    %dot_general3A_394 = arith.constant dense<0.000000e+00> : vector<1024x128xf32>
    %dot_general3A_395 = tpu.matmul %div3A_9, %get3A_393, %dot_general3A_394 {dimension_numbers = #tpu.dot_dimension_numbers<[1], [0], [0], [1], [0, 0, 1, 1], [], []>, transpose_lhs_hint = false} : vector<1024x32xf32>, vector<32x128xf32>, vector<1024x128xf32> -> vector<1024x128xf32>
    %gt3A_396 = arith.cmpf ogt, %dot_general3A_395, %select_n3A_387 : vector<1024x128xf32>
    %select_n3A_397 = arith.select %gt3A_396, %dot_general3A_395, %select_n3A_387 : vector<1024x128xi1>, vector<1024x128xf32>
    %jit3A_398 = arith.constant 3.800000e+01 : f32
    %broadcast_in_dim3A_399 = vector.broadcast %jit3A_398 : f32 to vector<1024x128xf32>
    %select_n3A_400 = arith.select %gt3A_396, %broadcast_in_dim3A_399, %select_n3A_390 : vector<1024x128xi1>, vector<1024x128xf32>
    %get3A_401 = arith.constant 0 : index
    %get3A_402 = arith.constant 4992 : index
    %get3A_403 = vector.load %arg4[%get3A_401, %get3A_402] : memref<32x8192xf32, #tpu.memory_space<vmem>>, vector<32x128xf32>
    %dot_general3A_404 = arith.constant dense<0.000000e+00> : vector<1024x128xf32>
    %dot_general3A_405 = tpu.matmul %div3A_9, %get3A_403, %dot_general3A_404 {dimension_numbers = #tpu.dot_dimension_numbers<[1], [0], [0], [1], [0, 0, 1, 1], [], []>, transpose_lhs_hint = false} : vector<1024x32xf32>, vector<32x128xf32>, vector<1024x128xf32> -> vector<1024x128xf32>
    %gt3A_406 = arith.cmpf ogt, %dot_general3A_405, %select_n3A_397 : vector<1024x128xf32>
    %select_n3A_407 = arith.select %gt3A_406, %dot_general3A_405, %select_n3A_397 : vector<1024x128xi1>, vector<1024x128xf32>
    %jit3A_408 = arith.constant 3.900000e+01 : f32
    %broadcast_in_dim3A_409 = vector.broadcast %jit3A_408 : f32 to vector<1024x128xf32>
    %select_n3A_410 = arith.select %gt3A_406, %broadcast_in_dim3A_409, %select_n3A_400 : vector<1024x128xi1>, vector<1024x128xf32>
    %get3A_411 = arith.constant 0 : index
    %get3A_412 = arith.constant 5120 : index
    %get3A_413 = vector.load %arg4[%get3A_411, %get3A_412] : memref<32x8192xf32, #tpu.memory_space<vmem>>, vector<32x128xf32>
    %dot_general3A_414 = arith.constant dense<0.000000e+00> : vector<1024x128xf32>
    %dot_general3A_415 = tpu.matmul %div3A_9, %get3A_413, %dot_general3A_414 {dimension_numbers = #tpu.dot_dimension_numbers<[1], [0], [0], [1], [0, 0, 1, 1], [], []>, transpose_lhs_hint = false} : vector<1024x32xf32>, vector<32x128xf32>, vector<1024x128xf32> -> vector<1024x128xf32>
    %gt3A_416 = arith.cmpf ogt, %dot_general3A_415, %select_n3A_407 : vector<1024x128xf32>
    %select_n3A_417 = arith.select %gt3A_416, %dot_general3A_415, %select_n3A_407 : vector<1024x128xi1>, vector<1024x128xf32>
    %jit3A_418 = arith.constant 4.000000e+01 : f32
    %broadcast_in_dim3A_419 = vector.broadcast %jit3A_418 : f32 to vector<1024x128xf32>
    %select_n3A_420 = arith.select %gt3A_416, %broadcast_in_dim3A_419, %select_n3A_410 : vector<1024x128xi1>, vector<1024x128xf32>
    %get3A_421 = arith.constant 0 : index
    %get3A_422 = arith.constant 5248 : index
    %get3A_423 = vector.load %arg4[%get3A_421, %get3A_422] : memref<32x8192xf32, #tpu.memory_space<vmem>>, vector<32x128xf32>
    %dot_general3A_424 = arith.constant dense<0.000000e+00> : vector<1024x128xf32>
    %dot_general3A_425 = tpu.matmul %div3A_9, %get3A_423, %dot_general3A_424 {dimension_numbers = #tpu.dot_dimension_numbers<[1], [0], [0], [1], [0, 0, 1, 1], [], []>, transpose_lhs_hint = false} : vector<1024x32xf32>, vector<32x128xf32>, vector<1024x128xf32> -> vector<1024x128xf32>
    %gt3A_426 = arith.cmpf ogt, %dot_general3A_425, %select_n3A_417 : vector<1024x128xf32>
    %select_n3A_427 = arith.select %gt3A_426, %dot_general3A_425, %select_n3A_417 : vector<1024x128xi1>, vector<1024x128xf32>
    %jit3A_428 = arith.constant 4.100000e+01 : f32
    %broadcast_in_dim3A_429 = vector.broadcast %jit3A_428 : f32 to vector<1024x128xf32>
    %select_n3A_430 = arith.select %gt3A_426, %broadcast_in_dim3A_429, %select_n3A_420 : vector<1024x128xi1>, vector<1024x128xf32>
    %get3A_431 = arith.constant 0 : index
    %get3A_432 = arith.constant 5376 : index
    %get3A_433 = vector.load %arg4[%get3A_431, %get3A_432] : memref<32x8192xf32, #tpu.memory_space<vmem>>, vector<32x128xf32>
    %dot_general3A_434 = arith.constant dense<0.000000e+00> : vector<1024x128xf32>
    %dot_general3A_435 = tpu.matmul %div3A_9, %get3A_433, %dot_general3A_434 {dimension_numbers = #tpu.dot_dimension_numbers<[1], [0], [0], [1], [0, 0, 1, 1], [], []>, transpose_lhs_hint = false} : vector<1024x32xf32>, vector<32x128xf32>, vector<1024x128xf32> -> vector<1024x128xf32>
    %gt3A_436 = arith.cmpf ogt, %dot_general3A_435, %select_n3A_427 : vector<1024x128xf32>
    %select_n3A_437 = arith.select %gt3A_436, %dot_general3A_435, %select_n3A_427 : vector<1024x128xi1>, vector<1024x128xf32>
    %jit3A_438 = arith.constant 4.200000e+01 : f32
    %broadcast_in_dim3A_439 = vector.broadcast %jit3A_438 : f32 to vector<1024x128xf32>
    %select_n3A_440 = arith.select %gt3A_436, %broadcast_in_dim3A_439, %select_n3A_430 : vector<1024x128xi1>, vector<1024x128xf32>
    %get3A_441 = arith.constant 0 : index
    %get3A_442 = arith.constant 5504 : index
    %get3A_443 = vector.load %arg4[%get3A_441, %get3A_442] : memref<32x8192xf32, #tpu.memory_space<vmem>>, vector<32x128xf32>
    %dot_general3A_444 = arith.constant dense<0.000000e+00> : vector<1024x128xf32>
    %dot_general3A_445 = tpu.matmul %div3A_9, %get3A_443, %dot_general3A_444 {dimension_numbers = #tpu.dot_dimension_numbers<[1], [0], [0], [1], [0, 0, 1, 1], [], []>, transpose_lhs_hint = false} : vector<1024x32xf32>, vector<32x128xf32>, vector<1024x128xf32> -> vector<1024x128xf32>
    %gt3A_446 = arith.cmpf ogt, %dot_general3A_445, %select_n3A_437 : vector<1024x128xf32>
    %select_n3A_447 = arith.select %gt3A_446, %dot_general3A_445, %select_n3A_437 : vector<1024x128xi1>, vector<1024x128xf32>
    %jit3A_448 = arith.constant 4.300000e+01 : f32
    %broadcast_in_dim3A_449 = vector.broadcast %jit3A_448 : f32 to vector<1024x128xf32>
    %select_n3A_450 = arith.select %gt3A_446, %broadcast_in_dim3A_449, %select_n3A_440 : vector<1024x128xi1>, vector<1024x128xf32>
    %get3A_451 = arith.constant 0 : index
    %get3A_452 = arith.constant 5632 : index
    %get3A_453 = vector.load %arg4[%get3A_451, %get3A_452] : memref<32x8192xf32, #tpu.memory_space<vmem>>, vector<32x128xf32>
    %dot_general3A_454 = arith.constant dense<0.000000e+00> : vector<1024x128xf32>
    %dot_general3A_455 = tpu.matmul %div3A_9, %get3A_453, %dot_general3A_454 {dimension_numbers = #tpu.dot_dimension_numbers<[1], [0], [0], [1], [0, 0, 1, 1], [], []>, transpose_lhs_hint = false} : vector<1024x32xf32>, vector<32x128xf32>, vector<1024x128xf32> -> vector<1024x128xf32>
    %gt3A_456 = arith.cmpf ogt, %dot_general3A_455, %select_n3A_447 : vector<1024x128xf32>
    %select_n3A_457 = arith.select %gt3A_456, %dot_general3A_455, %select_n3A_447 : vector<1024x128xi1>, vector<1024x128xf32>
    %jit3A_458 = arith.constant 4.400000e+01 : f32
    %broadcast_in_dim3A_459 = vector.broadcast %jit3A_458 : f32 to vector<1024x128xf32>
    %select_n3A_460 = arith.select %gt3A_456, %broadcast_in_dim3A_459, %select_n3A_450 : vector<1024x128xi1>, vector<1024x128xf32>
    %get3A_461 = arith.constant 0 : index
    %get3A_462 = arith.constant 5760 : index
    %get3A_463 = vector.load %arg4[%get3A_461, %get3A_462] : memref<32x8192xf32, #tpu.memory_space<vmem>>, vector<32x128xf32>
    %dot_general3A_464 = arith.constant dense<0.000000e+00> : vector<1024x128xf32>
    %dot_general3A_465 = tpu.matmul %div3A_9, %get3A_463, %dot_general3A_464 {dimension_numbers = #tpu.dot_dimension_numbers<[1], [0], [0], [1], [0, 0, 1, 1], [], []>, transpose_lhs_hint = false} : vector<1024x32xf32>, vector<32x128xf32>, vector<1024x128xf32> -> vector<1024x128xf32>
    %gt3A_466 = arith.cmpf ogt, %dot_general3A_465, %select_n3A_457 : vector<1024x128xf32>
    %select_n3A_467 = arith.select %gt3A_466, %dot_general3A_465, %select_n3A_457 : vector<1024x128xi1>, vector<1024x128xf32>
    %jit3A_468 = arith.constant 4.500000e+01 : f32
    %broadcast_in_dim3A_469 = vector.broadcast %jit3A_468 : f32 to vector<1024x128xf32>
    %select_n3A_470 = arith.select %gt3A_466, %broadcast_in_dim3A_469, %select_n3A_460 : vector<1024x128xi1>, vector<1024x128xf32>
    %get3A_471 = arith.constant 0 : index
    %get3A_472 = arith.constant 5888 : index
    %get3A_473 = vector.load %arg4[%get3A_471, %get3A_472] : memref<32x8192xf32, #tpu.memory_space<vmem>>, vector<32x128xf32>
    %dot_general3A_474 = arith.constant dense<0.000000e+00> : vector<1024x128xf32>
    %dot_general3A_475 = tpu.matmul %div3A_9, %get3A_473, %dot_general3A_474 {dimension_numbers = #tpu.dot_dimension_numbers<[1], [0], [0], [1], [0, 0, 1, 1], [], []>, transpose_lhs_hint = false} : vector<1024x32xf32>, vector<32x128xf32>, vector<1024x128xf32> -> vector<1024x128xf32>
    %gt3A_476 = arith.cmpf ogt, %dot_general3A_475, %select_n3A_467 : vector<1024x128xf32>
    %select_n3A_477 = arith.select %gt3A_476, %dot_general3A_475, %select_n3A_467 : vector<1024x128xi1>, vector<1024x128xf32>
    %jit3A_478 = arith.constant 4.600000e+01 : f32
    %broadcast_in_dim3A_479 = vector.broadcast %jit3A_478 : f32 to vector<1024x128xf32>
    %select_n3A_480 = arith.select %gt3A_476, %broadcast_in_dim3A_479, %select_n3A_470 : vector<1024x128xi1>, vector<1024x128xf32>
    %get3A_481 = arith.constant 0 : index
    %get3A_482 = arith.constant 6016 : index
    %get3A_483 = vector.load %arg4[%get3A_481, %get3A_482] : memref<32x8192xf32, #tpu.memory_space<vmem>>, vector<32x128xf32>
    %dot_general3A_484 = arith.constant dense<0.000000e+00> : vector<1024x128xf32>
    %dot_general3A_485 = tpu.matmul %div3A_9, %get3A_483, %dot_general3A_484 {dimension_numbers = #tpu.dot_dimension_numbers<[1], [0], [0], [1], [0, 0, 1, 1], [], []>, transpose_lhs_hint = false} : vector<1024x32xf32>, vector<32x128xf32>, vector<1024x128xf32> -> vector<1024x128xf32>
    %gt3A_486 = arith.cmpf ogt, %dot_general3A_485, %select_n3A_477 : vector<1024x128xf32>
    %select_n3A_487 = arith.select %gt3A_486, %dot_general3A_485, %select_n3A_477 : vector<1024x128xi1>, vector<1024x128xf32>
    %jit3A_488 = arith.constant 4.700000e+01 : f32
    %broadcast_in_dim3A_489 = vector.broadcast %jit3A_488 : f32 to vector<1024x128xf32>
    %select_n3A_490 = arith.select %gt3A_486, %broadcast_in_dim3A_489, %select_n3A_480 : vector<1024x128xi1>, vector<1024x128xf32>
    %get3A_491 = arith.constant 0 : index
    %get3A_492 = arith.constant 6144 : index
    %get3A_493 = vector.load %arg4[%get3A_491, %get3A_492] : memref<32x8192xf32, #tpu.memory_space<vmem>>, vector<32x128xf32>
    %dot_general3A_494 = arith.constant dense<0.000000e+00> : vector<1024x128xf32>
    %dot_general3A_495 = tpu.matmul %div3A_9, %get3A_493, %dot_general3A_494 {dimension_numbers = #tpu.dot_dimension_numbers<[1], [0], [0], [1], [0, 0, 1, 1], [], []>, transpose_lhs_hint = false} : vector<1024x32xf32>, vector<32x128xf32>, vector<1024x128xf32> -> vector<1024x128xf32>
    %gt3A_496 = arith.cmpf ogt, %dot_general3A_495, %select_n3A_487 : vector<1024x128xf32>
    %select_n3A_497 = arith.select %gt3A_496, %dot_general3A_495, %select_n3A_487 : vector<1024x128xi1>, vector<1024x128xf32>
    %jit3A_498 = arith.constant 4.800000e+01 : f32
    %broadcast_in_dim3A_499 = vector.broadcast %jit3A_498 : f32 to vector<1024x128xf32>
    %select_n3A_500 = arith.select %gt3A_496, %broadcast_in_dim3A_499, %select_n3A_490 : vector<1024x128xi1>, vector<1024x128xf32>
    %get3A_501 = arith.constant 0 : index
    %get3A_502 = arith.constant 6272 : index
    %get3A_503 = vector.load %arg4[%get3A_501, %get3A_502] : memref<32x8192xf32, #tpu.memory_space<vmem>>, vector<32x128xf32>
    %dot_general3A_504 = arith.constant dense<0.000000e+00> : vector<1024x128xf32>
    %dot_general3A_505 = tpu.matmul %div3A_9, %get3A_503, %dot_general3A_504 {dimension_numbers = #tpu.dot_dimension_numbers<[1], [0], [0], [1], [0, 0, 1, 1], [], []>, transpose_lhs_hint = false} : vector<1024x32xf32>, vector<32x128xf32>, vector<1024x128xf32> -> vector<1024x128xf32>
    %gt3A_506 = arith.cmpf ogt, %dot_general3A_505, %select_n3A_497 : vector<1024x128xf32>
    %select_n3A_507 = arith.select %gt3A_506, %dot_general3A_505, %select_n3A_497 : vector<1024x128xi1>, vector<1024x128xf32>
    %jit3A_508 = arith.constant 4.900000e+01 : f32
    %broadcast_in_dim3A_509 = vector.broadcast %jit3A_508 : f32 to vector<1024x128xf32>
    %select_n3A_510 = arith.select %gt3A_506, %broadcast_in_dim3A_509, %select_n3A_500 : vector<1024x128xi1>, vector<1024x128xf32>
    %get3A_511 = arith.constant 0 : index
    %get3A_512 = arith.constant 6400 : index
    %get3A_513 = vector.load %arg4[%get3A_511, %get3A_512] : memref<32x8192xf32, #tpu.memory_space<vmem>>, vector<32x128xf32>
    %dot_general3A_514 = arith.constant dense<0.000000e+00> : vector<1024x128xf32>
    %dot_general3A_515 = tpu.matmul %div3A_9, %get3A_513, %dot_general3A_514 {dimension_numbers = #tpu.dot_dimension_numbers<[1], [0], [0], [1], [0, 0, 1, 1], [], []>, transpose_lhs_hint = false} : vector<1024x32xf32>, vector<32x128xf32>, vector<1024x128xf32> -> vector<1024x128xf32>
    %gt3A_516 = arith.cmpf ogt, %dot_general3A_515, %select_n3A_507 : vector<1024x128xf32>
    %select_n3A_517 = arith.select %gt3A_516, %dot_general3A_515, %select_n3A_507 : vector<1024x128xi1>, vector<1024x128xf32>
    %jit3A_518 = arith.constant 5.000000e+01 : f32
    %broadcast_in_dim3A_519 = vector.broadcast %jit3A_518 : f32 to vector<1024x128xf32>
    %select_n3A_520 = arith.select %gt3A_516, %broadcast_in_dim3A_519, %select_n3A_510 : vector<1024x128xi1>, vector<1024x128xf32>
    %get3A_521 = arith.constant 0 : index
    %get3A_522 = arith.constant 6528 : index
    %get3A_523 = vector.load %arg4[%get3A_521, %get3A_522] : memref<32x8192xf32, #tpu.memory_space<vmem>>, vector<32x128xf32>
    %dot_general3A_524 = arith.constant dense<0.000000e+00> : vector<1024x128xf32>
    %dot_general3A_525 = tpu.matmul %div3A_9, %get3A_523, %dot_general3A_524 {dimension_numbers = #tpu.dot_dimension_numbers<[1], [0], [0], [1], [0, 0, 1, 1], [], []>, transpose_lhs_hint = false} : vector<1024x32xf32>, vector<32x128xf32>, vector<1024x128xf32> -> vector<1024x128xf32>
    %gt3A_526 = arith.cmpf ogt, %dot_general3A_525, %select_n3A_517 : vector<1024x128xf32>
    %select_n3A_527 = arith.select %gt3A_526, %dot_general3A_525, %select_n3A_517 : vector<1024x128xi1>, vector<1024x128xf32>
    %jit3A_528 = arith.constant 5.100000e+01 : f32
    %broadcast_in_dim3A_529 = vector.broadcast %jit3A_528 : f32 to vector<1024x128xf32>
    %select_n3A_530 = arith.select %gt3A_526, %broadcast_in_dim3A_529, %select_n3A_520 : vector<1024x128xi1>, vector<1024x128xf32>
    %get3A_531 = arith.constant 0 : index
    %get3A_532 = arith.constant 6656 : index
    %get3A_533 = vector.load %arg4[%get3A_531, %get3A_532] : memref<32x8192xf32, #tpu.memory_space<vmem>>, vector<32x128xf32>
    %dot_general3A_534 = arith.constant dense<0.000000e+00> : vector<1024x128xf32>
    %dot_general3A_535 = tpu.matmul %div3A_9, %get3A_533, %dot_general3A_534 {dimension_numbers = #tpu.dot_dimension_numbers<[1], [0], [0], [1], [0, 0, 1, 1], [], []>, transpose_lhs_hint = false} : vector<1024x32xf32>, vector<32x128xf32>, vector<1024x128xf32> -> vector<1024x128xf32>
    %gt3A_536 = arith.cmpf ogt, %dot_general3A_535, %select_n3A_527 : vector<1024x128xf32>
    %select_n3A_537 = arith.select %gt3A_536, %dot_general3A_535, %select_n3A_527 : vector<1024x128xi1>, vector<1024x128xf32>
    %jit3A_538 = arith.constant 5.200000e+01 : f32
    %broadcast_in_dim3A_539 = vector.broadcast %jit3A_538 : f32 to vector<1024x128xf32>
    %select_n3A_540 = arith.select %gt3A_536, %broadcast_in_dim3A_539, %select_n3A_530 : vector<1024x128xi1>, vector<1024x128xf32>
    %get3A_541 = arith.constant 0 : index
    %get3A_542 = arith.constant 6784 : index
    %get3A_543 = vector.load %arg4[%get3A_541, %get3A_542] : memref<32x8192xf32, #tpu.memory_space<vmem>>, vector<32x128xf32>
    %dot_general3A_544 = arith.constant dense<0.000000e+00> : vector<1024x128xf32>
    %dot_general3A_545 = tpu.matmul %div3A_9, %get3A_543, %dot_general3A_544 {dimension_numbers = #tpu.dot_dimension_numbers<[1], [0], [0], [1], [0, 0, 1, 1], [], []>, transpose_lhs_hint = false} : vector<1024x32xf32>, vector<32x128xf32>, vector<1024x128xf32> -> vector<1024x128xf32>
    %gt3A_546 = arith.cmpf ogt, %dot_general3A_545, %select_n3A_537 : vector<1024x128xf32>
    %select_n3A_547 = arith.select %gt3A_546, %dot_general3A_545, %select_n3A_537 : vector<1024x128xi1>, vector<1024x128xf32>
    %jit3A_548 = arith.constant 5.300000e+01 : f32
    %broadcast_in_dim3A_549 = vector.broadcast %jit3A_548 : f32 to vector<1024x128xf32>
    %select_n3A_550 = arith.select %gt3A_546, %broadcast_in_dim3A_549, %select_n3A_540 : vector<1024x128xi1>, vector<1024x128xf32>
    %get3A_551 = arith.constant 0 : index
    %get3A_552 = arith.constant 6912 : index
    %get3A_553 = vector.load %arg4[%get3A_551, %get3A_552] : memref<32x8192xf32, #tpu.memory_space<vmem>>, vector<32x128xf32>
    %dot_general3A_554 = arith.constant dense<0.000000e+00> : vector<1024x128xf32>
    %dot_general3A_555 = tpu.matmul %div3A_9, %get3A_553, %dot_general3A_554 {dimension_numbers = #tpu.dot_dimension_numbers<[1], [0], [0], [1], [0, 0, 1, 1], [], []>, transpose_lhs_hint = false} : vector<1024x32xf32>, vector<32x128xf32>, vector<1024x128xf32> -> vector<1024x128xf32>
    %gt3A_556 = arith.cmpf ogt, %dot_general3A_555, %select_n3A_547 : vector<1024x128xf32>
    %select_n3A_557 = arith.select %gt3A_556, %dot_general3A_555, %select_n3A_547 : vector<1024x128xi1>, vector<1024x128xf32>
    %jit3A_558 = arith.constant 5.400000e+01 : f32
    %broadcast_in_dim3A_559 = vector.broadcast %jit3A_558 : f32 to vector<1024x128xf32>
    %select_n3A_560 = arith.select %gt3A_556, %broadcast_in_dim3A_559, %select_n3A_550 : vector<1024x128xi1>, vector<1024x128xf32>
    %get3A_561 = arith.constant 0 : index
    %get3A_562 = arith.constant 7040 : index
    %get3A_563 = vector.load %arg4[%get3A_561, %get3A_562] : memref<32x8192xf32, #tpu.memory_space<vmem>>, vector<32x128xf32>
    %dot_general3A_564 = arith.constant dense<0.000000e+00> : vector<1024x128xf32>
    %dot_general3A_565 = tpu.matmul %div3A_9, %get3A_563, %dot_general3A_564 {dimension_numbers = #tpu.dot_dimension_numbers<[1], [0], [0], [1], [0, 0, 1, 1], [], []>, transpose_lhs_hint = false} : vector<1024x32xf32>, vector<32x128xf32>, vector<1024x128xf32> -> vector<1024x128xf32>
    %gt3A_566 = arith.cmpf ogt, %dot_general3A_565, %select_n3A_557 : vector<1024x128xf32>
    %select_n3A_567 = arith.select %gt3A_566, %dot_general3A_565, %select_n3A_557 : vector<1024x128xi1>, vector<1024x128xf32>
    %jit3A_568 = arith.constant 5.500000e+01 : f32
    %broadcast_in_dim3A_569 = vector.broadcast %jit3A_568 : f32 to vector<1024x128xf32>
    %select_n3A_570 = arith.select %gt3A_566, %broadcast_in_dim3A_569, %select_n3A_560 : vector<1024x128xi1>, vector<1024x128xf32>
    %get3A_571 = arith.constant 0 : index
    %get3A_572 = arith.constant 7168 : index
    %get3A_573 = vector.load %arg4[%get3A_571, %get3A_572] : memref<32x8192xf32, #tpu.memory_space<vmem>>, vector<32x128xf32>
    %dot_general3A_574 = arith.constant dense<0.000000e+00> : vector<1024x128xf32>
    %dot_general3A_575 = tpu.matmul %div3A_9, %get3A_573, %dot_general3A_574 {dimension_numbers = #tpu.dot_dimension_numbers<[1], [0], [0], [1], [0, 0, 1, 1], [], []>, transpose_lhs_hint = false} : vector<1024x32xf32>, vector<32x128xf32>, vector<1024x128xf32> -> vector<1024x128xf32>
    %gt3A_576 = arith.cmpf ogt, %dot_general3A_575, %select_n3A_567 : vector<1024x128xf32>
    %select_n3A_577 = arith.select %gt3A_576, %dot_general3A_575, %select_n3A_567 : vector<1024x128xi1>, vector<1024x128xf32>
    %jit3A_578 = arith.constant 5.600000e+01 : f32
    %broadcast_in_dim3A_579 = vector.broadcast %jit3A_578 : f32 to vector<1024x128xf32>
    %select_n3A_580 = arith.select %gt3A_576, %broadcast_in_dim3A_579, %select_n3A_570 : vector<1024x128xi1>, vector<1024x128xf32>
    %get3A_581 = arith.constant 0 : index
    %get3A_582 = arith.constant 7296 : index
    %get3A_583 = vector.load %arg4[%get3A_581, %get3A_582] : memref<32x8192xf32, #tpu.memory_space<vmem>>, vector<32x128xf32>
    %dot_general3A_584 = arith.constant dense<0.000000e+00> : vector<1024x128xf32>
    %dot_general3A_585 = tpu.matmul %div3A_9, %get3A_583, %dot_general3A_584 {dimension_numbers = #tpu.dot_dimension_numbers<[1], [0], [0], [1], [0, 0, 1, 1], [], []>, transpose_lhs_hint = false} : vector<1024x32xf32>, vector<32x128xf32>, vector<1024x128xf32> -> vector<1024x128xf32>
    %gt3A_586 = arith.cmpf ogt, %dot_general3A_585, %select_n3A_577 : vector<1024x128xf32>
    %select_n3A_587 = arith.select %gt3A_586, %dot_general3A_585, %select_n3A_577 : vector<1024x128xi1>, vector<1024x128xf32>
    %jit3A_588 = arith.constant 5.700000e+01 : f32
    %broadcast_in_dim3A_589 = vector.broadcast %jit3A_588 : f32 to vector<1024x128xf32>
    %select_n3A_590 = arith.select %gt3A_586, %broadcast_in_dim3A_589, %select_n3A_580 : vector<1024x128xi1>, vector<1024x128xf32>
    %get3A_591 = arith.constant 0 : index
    %get3A_592 = arith.constant 7424 : index
    %get3A_593 = vector.load %arg4[%get3A_591, %get3A_592] : memref<32x8192xf32, #tpu.memory_space<vmem>>, vector<32x128xf32>
    %dot_general3A_594 = arith.constant dense<0.000000e+00> : vector<1024x128xf32>
    %dot_general3A_595 = tpu.matmul %div3A_9, %get3A_593, %dot_general3A_594 {dimension_numbers = #tpu.dot_dimension_numbers<[1], [0], [0], [1], [0, 0, 1, 1], [], []>, transpose_lhs_hint = false} : vector<1024x32xf32>, vector<32x128xf32>, vector<1024x128xf32> -> vector<1024x128xf32>
    %gt3A_596 = arith.cmpf ogt, %dot_general3A_595, %select_n3A_587 : vector<1024x128xf32>
    %select_n3A_597 = arith.select %gt3A_596, %dot_general3A_595, %select_n3A_587 : vector<1024x128xi1>, vector<1024x128xf32>
    %jit3A_598 = arith.constant 5.800000e+01 : f32
    %broadcast_in_dim3A_599 = vector.broadcast %jit3A_598 : f32 to vector<1024x128xf32>
    %select_n3A_600 = arith.select %gt3A_596, %broadcast_in_dim3A_599, %select_n3A_590 : vector<1024x128xi1>, vector<1024x128xf32>
    %get3A_601 = arith.constant 0 : index
    %get3A_602 = arith.constant 7552 : index
    %get3A_603 = vector.load %arg4[%get3A_601, %get3A_602] : memref<32x8192xf32, #tpu.memory_space<vmem>>, vector<32x128xf32>
    %dot_general3A_604 = arith.constant dense<0.000000e+00> : vector<1024x128xf32>
    %dot_general3A_605 = tpu.matmul %div3A_9, %get3A_603, %dot_general3A_604 {dimension_numbers = #tpu.dot_dimension_numbers<[1], [0], [0], [1], [0, 0, 1, 1], [], []>, transpose_lhs_hint = false} : vector<1024x32xf32>, vector<32x128xf32>, vector<1024x128xf32> -> vector<1024x128xf32>
    %gt3A_606 = arith.cmpf ogt, %dot_general3A_605, %select_n3A_597 : vector<1024x128xf32>
    %select_n3A_607 = arith.select %gt3A_606, %dot_general3A_605, %select_n3A_597 : vector<1024x128xi1>, vector<1024x128xf32>
    %jit3A_608 = arith.constant 5.900000e+01 : f32
    %broadcast_in_dim3A_609 = vector.broadcast %jit3A_608 : f32 to vector<1024x128xf32>
    %select_n3A_610 = arith.select %gt3A_606, %broadcast_in_dim3A_609, %select_n3A_600 : vector<1024x128xi1>, vector<1024x128xf32>
    %get3A_611 = arith.constant 0 : index
    %get3A_612 = arith.constant 7680 : index
    %get3A_613 = vector.load %arg4[%get3A_611, %get3A_612] : memref<32x8192xf32, #tpu.memory_space<vmem>>, vector<32x128xf32>
    %dot_general3A_614 = arith.constant dense<0.000000e+00> : vector<1024x128xf32>
    %dot_general3A_615 = tpu.matmul %div3A_9, %get3A_613, %dot_general3A_614 {dimension_numbers = #tpu.dot_dimension_numbers<[1], [0], [0], [1], [0, 0, 1, 1], [], []>, transpose_lhs_hint = false} : vector<1024x32xf32>, vector<32x128xf32>, vector<1024x128xf32> -> vector<1024x128xf32>
    %gt3A_616 = arith.cmpf ogt, %dot_general3A_615, %select_n3A_607 : vector<1024x128xf32>
    %select_n3A_617 = arith.select %gt3A_616, %dot_general3A_615, %select_n3A_607 : vector<1024x128xi1>, vector<1024x128xf32>
    %jit3A_618 = arith.constant 6.000000e+01 : f32
    %broadcast_in_dim3A_619 = vector.broadcast %jit3A_618 : f32 to vector<1024x128xf32>
    %select_n3A_620 = arith.select %gt3A_616, %broadcast_in_dim3A_619, %select_n3A_610 : vector<1024x128xi1>, vector<1024x128xf32>
    %get3A_621 = arith.constant 0 : index
    %get3A_622 = arith.constant 7808 : index
    %get3A_623 = vector.load %arg4[%get3A_621, %get3A_622] : memref<32x8192xf32, #tpu.memory_space<vmem>>, vector<32x128xf32>
    %dot_general3A_624 = arith.constant dense<0.000000e+00> : vector<1024x128xf32>
    %dot_general3A_625 = tpu.matmul %div3A_9, %get3A_623, %dot_general3A_624 {dimension_numbers = #tpu.dot_dimension_numbers<[1], [0], [0], [1], [0, 0, 1, 1], [], []>, transpose_lhs_hint = false} : vector<1024x32xf32>, vector<32x128xf32>, vector<1024x128xf32> -> vector<1024x128xf32>
    %gt3A_626 = arith.cmpf ogt, %dot_general3A_625, %select_n3A_617 : vector<1024x128xf32>
    %select_n3A_627 = arith.select %gt3A_626, %dot_general3A_625, %select_n3A_617 : vector<1024x128xi1>, vector<1024x128xf32>
    %jit3A_628 = arith.constant 6.100000e+01 : f32
    %broadcast_in_dim3A_629 = vector.broadcast %jit3A_628 : f32 to vector<1024x128xf32>
    %select_n3A_630 = arith.select %gt3A_626, %broadcast_in_dim3A_629, %select_n3A_620 : vector<1024x128xi1>, vector<1024x128xf32>
    %get3A_631 = arith.constant 0 : index
    %get3A_632 = arith.constant 7936 : index
    %get3A_633 = vector.load %arg4[%get3A_631, %get3A_632] : memref<32x8192xf32, #tpu.memory_space<vmem>>, vector<32x128xf32>
    %dot_general3A_634 = arith.constant dense<0.000000e+00> : vector<1024x128xf32>
    %dot_general3A_635 = tpu.matmul %div3A_9, %get3A_633, %dot_general3A_634 {dimension_numbers = #tpu.dot_dimension_numbers<[1], [0], [0], [1], [0, 0, 1, 1], [], []>, transpose_lhs_hint = false} : vector<1024x32xf32>, vector<32x128xf32>, vector<1024x128xf32> -> vector<1024x128xf32>
    %gt3A_636 = arith.cmpf ogt, %dot_general3A_635, %select_n3A_627 : vector<1024x128xf32>
    %select_n3A_637 = arith.select %gt3A_636, %dot_general3A_635, %select_n3A_627 : vector<1024x128xi1>, vector<1024x128xf32>
    %jit3A_638 = arith.constant 6.200000e+01 : f32
    %broadcast_in_dim3A_639 = vector.broadcast %jit3A_638 : f32 to vector<1024x128xf32>
    %select_n3A_640 = arith.select %gt3A_636, %broadcast_in_dim3A_639, %select_n3A_630 : vector<1024x128xi1>, vector<1024x128xf32>
    %get3A_641 = arith.constant 0 : index
    %get3A_642 = arith.constant 8064 : index
    %get3A_643 = vector.load %arg4[%get3A_641, %get3A_642] : memref<32x8192xf32, #tpu.memory_space<vmem>>, vector<32x128xf32>
    %dot_general3A_644 = arith.constant dense<0.000000e+00> : vector<1024x128xf32>
    %dot_general3A_645 = tpu.matmul %div3A_9, %get3A_643, %dot_general3A_644 {dimension_numbers = #tpu.dot_dimension_numbers<[1], [0], [0], [1], [0, 0, 1, 1], [], []>, transpose_lhs_hint = false} : vector<1024x32xf32>, vector<32x128xf32>, vector<1024x128xf32> -> vector<1024x128xf32>
    %gt3A_646 = arith.cmpf ogt, %dot_general3A_645, %select_n3A_637 : vector<1024x128xf32>
    %select_n3A_647 = arith.select %gt3A_646, %dot_general3A_645, %select_n3A_637 : vector<1024x128xi1>, vector<1024x128xf32>
    %jit3A_648 = arith.constant 6.300000e+01 : f32
    %broadcast_in_dim3A_649 = vector.broadcast %jit3A_648 : f32 to vector<1024x128xf32>
    %select_n3A_650 = arith.select %gt3A_646, %broadcast_in_dim3A_649, %select_n3A_640 : vector<1024x128xi1>, vector<1024x128xf32>
    %reduce_max3A = arith.constant dense<0xFF800000> : vector<1024xf32>
    %reduce_max3A_651 = vector.multi_reduction <maximumf>, %select_n3A_647, %reduce_max3A [1] : vector<1024x128xf32> to vector<1024xf32>
    %broadcast_in_dim3A_652 = vector.shape_cast %reduce_max3A_651 : vector<1024xf32> to vector<1024x1xf32>
    %mul3A_653 = arith.constant 1.280000e+02 : f32
    %mul3A_654 = vector.broadcast %mul3A_653 : f32 to vector<1024x128xf32>
    %mul3A_655 = arith.mulf %select_n3A_650, %mul3A_654 : vector<1024x128xf32>
    %add3A = arith.addf %mul3A_655, %convert_element_type3A_10 : vector<1024x128xf32>
    %eq3A_656 = vector.broadcast %broadcast_in_dim3A_652 : vector<1024x1xf32> to vector<1024x128xf32>
    %eq3A_657 = arith.cmpf oeq, %select_n3A_647, %eq3A_656 : vector<1024x128xf32>
    %jit3A_658 = arith.constant 8.192000e+03 : f32
    %broadcast_in_dim3A_659 = vector.broadcast %jit3A_658 : f32 to vector<1024x128xf32>
    %select_n3A_660 = arith.select %eq3A_657, %add3A, %broadcast_in_dim3A_659 : vector<1024x128xi1>, vector<1024x128xf32>
    %reduce_min3A = arith.constant dense<0x7F800000> : vector<1024xf32>
    %reduce_min3A_661 = vector.multi_reduction <minimumf>, %select_n3A_660, %reduce_min3A [1] : vector<1024x128xf32> to vector<1024xf32>
    %convert_element_type3A_662 = arith.fptosi %reduce_min3A_661 : vector<1024xf32> to vector<1024xi32>
    %swap3A = arith.constant 0 : index
    %swap3A_663 = arith.constant 0 : index
    %swap3A_664 = arith.constant 0 : index
    %swap3A_665 = vector.load %arg3[%swap3A, %swap3A_663, %swap3A_664] : memref<1x1x1024xi32, #tpu.memory_space<vmem>>, vector<1x1x1024xi32>
    %swap3A_666 = vector.shape_cast %swap3A_665 : vector<1x1x1024xi32> to vector<1024xi32>
    %swap3A_667 = vector.shape_cast %convert_element_type3A_662 : vector<1024xi32> to vector<1x1x1024xi32>
    tpu.vector_store %arg3[%swap3A, %swap3A_663, %swap3A_664], %swap3A_667 {strides = array<i32>} : memref<1x1x1024xi32, #tpu.memory_space<vmem>>, vector<1x1x1024xi32>,
    return
  }
  func.func @transform_0(%arg0: i32) -> (i32, i32, i32) {
    %jit3A = arith.constant 1 : i32
    %div3A = arith.divsi %arg0, %jit3A : i32
    %sign3A = arith.constant 0 : i32
    %sign3A_0 = arith.cmpi sgt, %arg0, %sign3A : i32
    %sign3A_1 = arith.extui %sign3A_0 : i1 to i32
    %sign3A_2 = arith.constant 0 : i32
    %sign3A_3 = arith.cmpi slt, %arg0, %sign3A_2 : i32
    %sign3A_4 = arith.extui %sign3A_3 : i1 to i32
    %sign3A_5 = arith.subi %sign3A_1, %sign3A_4 : i32
    %sign3A_6 = arith.constant 0 : i32
    %sign3A_7 = arith.cmpi sgt, %jit3A, %sign3A_6 : i32
    %sign3A_8 = arith.extui %sign3A_7 : i1 to i32
    %sign3A_9 = arith.constant 0 : i32
    %sign3A_10 = arith.cmpi slt, %jit3A, %sign3A_9 : i32
    %sign3A_11 = arith.extui %sign3A_10 : i1 to i32
    %sign3A_12 = arith.subi %sign3A_8, %sign3A_11 : i32
    %ne3A = arith.cmpi ne, %sign3A_5, %sign3A_12 : i32
    %rem3A = arith.remsi %arg0, %jit3A : i32
    %ne3A_13 = arith.constant 0 : i32
    %ne3A_14 = arith.cmpi ne, %rem3A, %ne3A_13 : i32
    %and3A = arith.andi %ne3A, %ne3A_14 : i1
    %sub3A = arith.constant 1 : i32
    %sub3A_15 = arith.subi %div3A, %sub3A : i32
    %select_n3A = arith.select %and3A, %sub3A_15, %div3A : i32
    %jit3A_16 = arith.constant 1 : i32
    %eq3A = arith.constant 0 : i32
    %eq3A_17 = arith.cmpi eq, %jit3A_16, %eq3A : i32
    %jit3A_18 = arith.constant 1 : i32
    %select_n3A_19 = arith.select %eq3A_17, %jit3A_18, %jit3A_16 : i32
    %rem3A_20 = arith.remsi %arg0, %select_n3A_19 : i32
    %ne3A_21 = arith.constant 0 : i32
    %ne3A_22 = arith.cmpi ne, %rem3A_20, %ne3A_21 : i32
    %lt3A = arith.constant 0 : i32
    %lt3A_23 = arith.cmpi slt, %rem3A_20, %lt3A : i32
    %lt3A_24 = arith.constant 0 : i32
    %lt3A_25 = arith.cmpi slt, %select_n3A_19, %lt3A_24 : i32
    %ne3A_26 = arith.xori %lt3A_23, %lt3A_25 : i1
    %and3A_27 = arith.andi %ne3A_26, %ne3A_22 : i1
    %add3A = arith.addi %rem3A_20, %select_n3A_19 : i32
    %select_n3A_28 = arith.select %and3A_27, %add3A, %rem3A_20 : i32
    %c0_i32 = arith.constant 0 : i32
    %c0_i32_29 = arith.constant 0 : i32
    return %select_n3A, %c0_i32, %select_n3A_28 : i32, i32, i32
  }
  func.func @transform_1(%arg0: i32) -> (i32, i32) {
    %c0_i32 = arith.constant 0 : i32
    %c0_i32_0 = arith.constant 0 : i32
    %c0_i32_1 = arith.constant 0 : i32
    return %c0_i32, %c0_i32_0 : i32, i32
  }
  func.func @transform_2(%arg0: i32) -> (i32, i32, i32) {
    %c0_i32 = arith.constant 0 : i32
    %c0_i32_0 = arith.constant 0 : i32
    %c0_i32_1 = arith.constant 0 : i32
    return %arg0, %c0_i32, %c0_i32_0 : i32, i32, i32
  }
}

module attributes {stable_mosaic.version = 14 : i64} {
  func.func @_finish_kernel(%arg0: i32, %arg1: memref<1x1024x32xf32, #tpu.memory_space<vmem>>, %arg2: memref<1x32x1024xf32, #tpu.memory_space<vmem>>, %arg3: memref<1x32x1024xf32, #tpu.memory_space<vmem>>, %arg4: memref<1x1xf32, #tpu.memory_space<vmem>>, %arg5: memref<1x1xf32, #tpu.memory_space<smem>>) attributes {dimension_semantics = [#tpu.dimension_semantics<arbitrary>], iteration_bounds = array<i64: 8>, scalar_prefetch = 0 : i64, scratch_operands = 1 : i64, tpu.core_type = #tpu.core_type<tc>, window_params = [{transform_indices = @transform_0, window_bounds = array<i64: 1, 1024, 32>}, {transform_indices = @transform_1, window_bounds = array<i64: 1, 32, 1024>}, {transform_indices = @transform_2, window_bounds = array<i64: 1, 32, 1024>}, {pipeline_mode = #tpu.pipeline_mode<synchronous>, transform_indices = @transform_3, window_bounds = array<i64: 1, 1>}]} {
    %eq3A = arith.constant 0 : i32
    %eq3A_0 = arith.cmpi eq, %arg0, %eq3A : i32
    %convert_element_type3A = arith.extui %eq3A_0 : i1 to i32
    %cond3A = arith.constant 0 : i32
    %cond3A_1 = arith.cmpi ne, %convert_element_type3A, %cond3A : i32
    scf.if %cond3A_1 {
      %swap3A_36 = arith.constant 0.000000e+00 : f32
      %swap3A_37 = arith.constant 0 : index
      %swap3A_38 = arith.constant 0 : index
      %swap3A_39 = memref.load %arg5[%swap3A_37, %swap3A_38] : memref<1x1xf32, #tpu.memory_space<smem>>
      memref.store %swap3A_36, %arg5[%swap3A_37, %swap3A_38] : memref<1x1xf32, #tpu.memory_space<smem>>
    } else {
    }
    %get3A = arith.constant 0 : index
    %get3A_2 = arith.constant 0 : index
    %get3A_3 = arith.constant 0 : index
    %get3A_4 = vector.load %arg1[%get3A, %get3A_2, %get3A_3] : memref<1x1024x32xf32, #tpu.memory_space<vmem>>, vector<1x1024x32xf32>
    %get3A_5 = vector.shape_cast %get3A_4 : vector<1x1024x32xf32> to vector<1024x32xf32>
    %transpose3A = tpu.transpose %get3A_5, [1, 0] : vector<1024x32xf32> -> vector<32x1024xf32>
    %get3A_6 = arith.constant 0 : index
    %get3A_7 = arith.constant 0 : index
    %get3A_8 = arith.constant 0 : index
    %get3A_9 = vector.load %arg2[%get3A_6, %get3A_7, %get3A_8] : memref<1x32x1024xf32, #tpu.memory_space<vmem>>, vector<1x32x1024xf32>
    %get3A_10 = vector.shape_cast %get3A_9 : vector<1x32x1024xf32> to vector<32x1024xf32>
    %sub3A = arith.subf %transpose3A, %get3A_10 : vector<32x1024xf32>
    %add3A = arith.addf %get3A_10, %sub3A : vector<32x1024xf32>
    %swap3A = arith.constant 0 : index
    %swap3A_11 = arith.constant 0 : index
    %swap3A_12 = arith.constant 0 : index
    %swap3A_13 = vector.load %arg3[%swap3A, %swap3A_11, %swap3A_12] : memref<1x32x1024xf32, #tpu.memory_space<vmem>>, vector<1x32x1024xf32>
    %swap3A_14 = vector.shape_cast %swap3A_13 : vector<1x32x1024xf32> to vector<32x1024xf32>
    %swap3A_15 = vector.shape_cast %add3A : vector<32x1024xf32> to vector<1x32x1024xf32>
    tpu.vector_store %arg3[%swap3A, %swap3A_11, %swap3A_12], %swap3A_15 {strides = array<i32>} : memref<1x32x1024xf32, #tpu.memory_space<vmem>>, vector<1x32x1024xf32>,
    %sub3A_16 = arith.subf %transpose3A, %get3A_10 : vector<32x1024xf32>
    %get3A_17 = arith.constant 0 : index
    %get3A_18 = arith.constant 0 : index
    %get3A_19 = memref.load %arg5[%get3A_17, %get3A_18] : memref<1x1xf32, #tpu.memory_space<smem>>
    %mul3A = arith.mulf %sub3A_16, %sub3A_16 : vector<32x1024xf32>
    %reduce_sum3A = vector.shape_cast %mul3A : vector<32x1024xf32> to vector<1x32x1024xf32>
    %reduce_sum3A_20 = arith.constant dense<0.000000e+00> : vector<1xf32>
    %reduce_sum3A_21 = vector.multi_reduction <add>, %reduce_sum3A, %reduce_sum3A_20 [1, 2] : vector<1x32x1024xf32> to vector<1xf32>
    %reduce_sum3A_22 = vector.shape_cast %reduce_sum3A_21 : vector<1xf32> to vector<1x1x1xf32>
    %reduce_sum3A_23 = vector.extract %reduce_sum3A_22[0, 0, 0] : f32 from vector<1x1x1xf32>
    %add3A_24 = arith.addf %get3A_19, %reduce_sum3A_23 : f32
    %swap3A_25 = arith.constant 0 : index
    %swap3A_26 = arith.constant 0 : index
    %swap3A_27 = memref.load %arg5[%swap3A_25, %swap3A_26] : memref<1x1xf32, #tpu.memory_space<smem>>
    memref.store %add3A_24, %arg5[%swap3A_25, %swap3A_26] : memref<1x1xf32, #tpu.memory_space<smem>>
    %get3A_28 = arith.constant 0 : index
    %get3A_29 = arith.constant 0 : index
    %get3A_30 = memref.load %arg5[%get3A_28, %get3A_29] : memref<1x1xf32, #tpu.memory_space<smem>>
    %mul3A_31 = arith.constant 4.76837158E-6 : f32
    %mul3A_32 = arith.mulf %get3A_30, %mul3A_31 : f32
    %broadcast_in_dim3A = vector.broadcast %mul3A_32 : f32 to vector<1x1xf32>
    %swap3A_33 = arith.constant 0 : index
    %swap3A_34 = arith.constant 0 : index
    %swap3A_35 = vector.load %arg4[%swap3A_33, %swap3A_34] : memref<1x1xf32, #tpu.memory_space<vmem>>, vector<1x1xf32>
    tpu.vector_store %arg4[%swap3A_33, %swap3A_34], %broadcast_in_dim3A {strides = array<i32>} : memref<1x1xf32, #tpu.memory_space<vmem>>, vector<1x1xf32>,
    return
  }
  func.func @transform_0(%arg0: i32) -> (i32, i32, i32) {
    %c0_i32 = arith.constant 0 : i32
    %c0_i32_0 = arith.constant 0 : i32
    %c0_i32_1 = arith.constant 0 : i32
    return %arg0, %c0_i32, %c0_i32_0 : i32, i32, i32
  }
  func.func @transform_1(%arg0: i32) -> (i32, i32, i32) {
    %c0_i32 = arith.constant 0 : i32
    %c0_i32_0 = arith.constant 0 : i32
    %c0_i32_1 = arith.constant 0 : i32
    return %arg0, %c0_i32, %c0_i32_0 : i32, i32, i32
  }
  func.func @transform_2(%arg0: i32) -> (i32, i32, i32) {
    %c0_i32 = arith.constant 0 : i32
    %c0_i32_0 = arith.constant 0 : i32
    %c0_i32_1 = arith.constant 0 : i32
    return %arg0, %c0_i32, %c0_i32_0 : i32, i32, i32
  }
  func.func @transform_3(%arg0: i32) -> (i32, i32) {
    %c0_i32 = arith.constant 0 : i32
    %c0_i32_0 = arith.constant 0 : i32
    %c0_i32_1 = arith.constant 0 : i32
    return %c0_i32, %c0_i32_0 : i32, i32
  }
}

</mosaic_0001>

<sc_bundles>
// kernel: kernel.5.cloned.1.call-start
scs
__scs_entry_jumppad:
0x0: {  	(pc) =	sbr.rel $0x88, $3  }
0x1: {  	(tag) =	ssettag $0x0;
	lr =	simm.s32 $0x1  }
0x2: {  	[smem:$0x3F9F] =	sst lr;
	_ =	strace $0xD0000000  }
0x3: {  	_ = 	snop  }
0x4: {  	_ = 	snop  }
0x5: {  	_ = 	snop  }
0x6: {  	_ = 	snop  }
0x7: {  	_ = 	snop  }
__scs_overlays_trampoline_lowered:
0x8: {  	[smem:$0x3FAE] =	sst s0  }
0x9: {  	[smem:$0x3FAF] =	sst s1  }
0xa: {  	[smem:$0x3FB0] =	sst s2  }
0xb: {  	[smem:$0x3FB1] =	sst s3  }
0xc: {  	[smem:$0x3FB2] =	sst s4  }
0xd: {  	[smem:$0x3FB3] =	sst s5  }
0xe: {  	[smem:$0x3FB4] =	sst s6  }
0xf: {  	[smem:$0x3FB5] =	sst s7  }
0x10: {  	[smem:$0x3FB6] =	sst s8  }
0x11: {  	[smem:$0x3FB7] =	sst s9;
	s0 =	simm.s32 @!p0 $0x0  }
0x12: {  	s1 =	sld [smem:$0x3F9D];
	s0 =	simm.s32 @p0 $0x1  }
0x13: {  	[smem:$0x3FB8] =	sst s0;
	s0 =	simm.s32 @!p1 $0x0  }
0x14: {  	s2 =	sld [smem:$0x3F9C];
	s0 =	simm.s32 @p1 $0x1  }
0x15: {  	[smem:$0x3FB9] =	sst s0;
	s0 =	simm.s32 @!p2 $0x0  }
0x16: {  	s3 =	sld [smem:$0x3FDB];
	s0 =	simm.s32 @p2 $0x1  }
0x17: {  	s4 =	simm.s32 $0x1BF5;
	[smem:$0x3FBB] =	sst s0  }
0x18: {  	s0 =	sld [smem:$0x3F9E];
	_ =	swait.ge [sflag:s4], $0x0  }
0x19: {  	s7 =	sld [smem:$0x3F9F]  }
0x1a: {  	s8 =	sadd.s32 $0xFFFFE003, lr  }
0x1b: {  	s9 =	sadd.s32 $0xFFFFFEF7, lr;
	s5 =	simm.s32 $0xFFFFFFFF;
	p2 =	slt.u32 s8, $0xFFFFF086  }
0x1c: {  	p1 =	slt.u32 s9, $0xF7A;
	s5 =	simm.s32 @!p2 $0x0  }
0x1d: {  	s5 =	simm.s32 @p1 $0x1;
	p0 =	seq.s32 s7, s2  }
0x1e: {  	s7 =	smul.u32 @!p0 $0xF7A, s2;
	p2 =	seq.s32 @!p0 s5, $0x0  }
0x1f: {  	s9 =	smul.u32 $0xF7A, s1;
	s8 =	simm.s32 @!p0 $0x1BF5;
	p2 =	por !p2, p0  }
0x20: {  	[sflag:s8] =	ssyncset.s32 @!p0 $0xFFFFF086;
	s6 =	sadd.s32 @!p0 s3, s7;
	s7 =	simm.s32 @!p0 $0x108  }
0x21: {  	s3 =	sadd.s32 s3, s9;
	s6 =	sadd.s32 @!p0 $0x88, s6;
	s7 =	simm.s32 @p2 $0x1082  }
0x22: {  	[simem:s7], [sflag:s8] =	dma.local @!p0 [hbm:s6], $0xF7A  }
0x23: {  	s9 =	sor.u32 $0xD0000000, s2;
	s6 =	simm.s32 $0x108;
	_ =	swait.ge @!p0 [sflag:s8], $0x0  }
0x24: {  	s3 =	sadd.s32 $0x88, s3;
	s6 =	simm.s32 @!p1 $0x1082;
	[sflag:s4] =	ssyncset.s32 $0xFFFFF086  }
0x25: {  	[simem:s6], [sflag:s4] =	dma.local [hbm:s3], $0xF7A  }
0x26: {  	[smem:$0x3F9F] =	sst s1;
	(tag) =	ssettag s2;
	_ =	strace s9  }
0x27: {  	s1 =	sld [smem:$0x3FAF]  }
0x28: {  	s2 =	sld [smem:$0x3FB0]  }
0x29: {  	s4 =	sld [smem:$0x3FB2]  }
0x2a: {  	p0 =	seq.s32 s5, $0x0;
	s5 =	sld [smem:$0x3FB3]  }
0x2b: {  	s6 =	sld [smem:$0x3FB4]  }
0x2c: {  	s7 =	sld [smem:$0x3FB5]  }
0x2d: {  	s3 =	simm.s32 $0x108;
	s8 =	sld [smem:$0x3FB6]  }
0x2e: {  	s3 =	simm.s32 @!p0 $0x1082;
	s9 =	sld [smem:$0x3FB7]  }
0x2f: {  	lr =	sadd.s32 s0, s3;
	s0 =	sld [smem:$0x3FAE]  }
0x30: {  	s3 =	sld [smem:$0x3FB1]  }
0x31: {  	[smem:$0x3FBA] =	sst s10  }
0x32: {  	s10 =	sld [smem:$0x3FB8];
	_ =	sdelay $0x3  }
0x33: {  	p0 =	seq.s32 s10, $0x1;
	s10 =	sld [smem:$0x3FBA];
	_ =	sdelay $0x3  }
0x34: {  	[smem:$0x3FBA] =	sst s10  }
0x35: {  	s10 =	sld [smem:$0x3FB9];
	_ =	sdelay $0x3  }
0x36: {  	p1 =	seq.s32 s10, $0x1;
	s10 =	sld [smem:$0x3FBA];
	_ =	sdelay $0x3  }
0x37: {  	[smem:$0x3FBA] =	sst s10  }
0x38: {  	s10 =	sld [smem:$0x3FBB]  }
0x39: {  	_ = 	snop;
	(pc) =	sbr.ind lr, $3  }
0x3a: {  	_ = 	snop  }
0x3b: {  	_ = 	snop  }
0x3c: {  	p2 =	seq.s32 s10, $0x1;
	s10 =	sld [smem:$0x3FBA]  }
0x3d: {  	_ =	shalt  }
0x3e: {  	_ =	shalt  }
0x3f: {  	_ =	shalt  }
0x40: {  	_ =	shalt  }
0x41: {  	_ =	shalt  }
0x42: {  	_ =	shalt  }
0x43: {  	_ =	shalt  }
0x44: {  	_ =	shalt  }
0x45: {  	_ =	shalt  }
0x46: {  	_ =	shalt  }
0x47: {  	_ =	shalt  }
0x48: {  	_ =	shalt  }
0x49: {  	_ =	shalt  }
0x4a: {  	_ =	shalt  }
0x4b: {  	_ =	shalt  }
0x4c: {  	_ =	shalt  }
0x4d: {  	_ =	shalt  }
0x4e: {  	_ =	shalt  }
0x4f: {  	_ =	shalt  }
0x50: {  	_ =	shalt  }
0x51: {  	_ =	shalt  }
0x52: {  	_ =	shalt  }
0x53: {  	_ =	shalt  }
0x54: {  	_ =	shalt  }
0x55: {  	_ =	shalt  }
0x56: {  	_ =	shalt  }
0x57: {  	_ =	shalt  }
0x58: {  	_ =	shalt  }
0x59: {  	_ =	shalt  }
0x5a: {  	_ =	shalt  }
0x5b: {  	_ =	shalt  }
0x5c: {  	_ =	shalt  }
0x5d: {  	_ =	shalt  }
0x5e: {  	_ =	shalt  }
0x5f: {  	_ =	shalt  }
0x60: {  	_ =	shalt  }
0x61: {  	_ =	shalt  }
0x62: {  	_ =	shalt  }
0x63: {  	_ =	shalt  }
0x64: {  	_ =	shalt  }
0x65: {  	_ =	shalt  }
0x66: {  	_ =	shalt  }
0x67: {  	_ =	shalt  }
0x68: {  	_ =	shalt  }
0x69: {  	_ =	shalt  }
0x6a: {  	_ =	shalt  }
0x6b: {  	_ =	shalt  }
0x6c: {  	_ =	shalt  }
0x6d: {  	_ =	shalt  }
0x6e: {  	_ =	shalt  }
0x6f: {  	_ =	shalt  }
0x70: {  	_ =	shalt  }
0x71: {  	_ =	shalt  }
0x72: {  	_ =	shalt  }
0x73: {  	_ =	shalt  }
0x74: {  	_ =	shalt  }
0x75: {  	_ =	shalt  }
0x76: {  	_ =	shalt  }
0x77: {  	_ =	shalt  }
0x78: {  	_ =	shalt  }
0x79: {  	_ =	shalt  }
0x7a: {  	_ =	shalt  }
0x7b: {  	_ =	shalt  }
0x7c: {  	_ =	shalt  }
0x7d: {  	_ =	shalt  }
0x7e: {  	_ =	shalt  }
0x7f: {  	_ =	shalt  }
0x80: {  	_ =	shalt  }
0x81: {  	_ =	shalt  }
0x82: {  	_ =	shalt  }
0x83: {  	_ =	shalt  }
0x84: {  	_ =	shalt  }
0x85: {  	_ =	shalt  }
0x86: {  	_ =	shalt  }
0x87: {  	_ =	shalt  }
.Lfunc_end0:
.L_simem_size_0:
called_computation_lowered:
.L_overlay_start_0:
0x88: {  	s2 =	sld [smem:$0x3FD9]  }
0x89: {  	s3 =	sld [smem:$0x3FFE];
	_ =	sdelay $0x1  }
0x8a: {  	s1 =	srdreg.scid  }
0x8b: {  	s0 =	sand.u32 $0x1, s1  }
0x8c: {  	s14 =	sshll.u32 s0, $0xA;
	s2 =	sadd.s32 s3, s2  }
0x8d: {  	s2 =	sadd.s32 s2, s14  }
0x8e: {  	[smem:$0x3FC6] =	sst s2  }
0x8f: {  	_ = 	snop  }
0x90: {  	s2 =	sld [smem:$0x3FD0];
	_ =	sdelay $0x2  }
0x91: {  	s15 =	simm.s32 $0xA;
	s4 =	simm.s32 $0x10  }
0x92: {  	[smem:s4], [sflag:s15] =	dma.local [hbm:s2], $0x1  }
0x93: {  	_ =	swait.eq [sflag:s15], $0x1  }
0x94: {  	[sflag:s15] =	ssyncset.done $0x0  }
0x95: {  	s16 =	sld [smem:$0x10];
	[sflag:s15] =	ssyncadd.s32 $0xFFFFFFFF  }
0x96: {  	s17 =	sld [smem:$0x12];
	(tm) =	ssettm $0x1  }
0x97: {  	s18 =	sld [smem:$0x3FFB];
	_ =	sdelay $0x3  }
0x98: {  	_ =	strace s18  }
0x99: {  	s4 =	sld [smem:$0x3FFC];
	_ =	sdelay $0x3  }
0x9a: {  	_ =	strace s4  }
0x9b: {  	s4 =	sld [smem:$0x3FFD];
	_ =	sdelay $0x3  }
0x9c: {  	_ =	strace s4  }
0x9d: {  	_ =	strace $0x8FFFFFFF  }
0x9e: {  	s19 =	sld [smem:$0x3FDB];
	_ =	sdelay $0x1  }
0x9f: {  	s5 =	simm.s32 $_scs_section_size  }
0xa0: {  	s6 =	simm.s32 $_size__tile_overlayer_lowered;
	s7 =	simm.s32 $_tile_overlayer_lowered  }
0xa1: {  	s22 =	simm.s32 $0x1BFF;
	s21 =	sshll.u32 s7, $0x1;
	s4 =	sadd.s32 s5, s19  }
0xa2: {  	s8 =	simm.s32 $0x0;
	s20 =	sshll.u32 s6, $0x1;
	s6 =	sadd.s32 s21, s4  }
0xa3: {  	[timem:s8], [sflag:s22] =	dma.local [hbm:s6], s20  }
0xa4: {  	_ =	swait.ge [sflag:s22], s20  }
0xa5: {  	s5 =	ssub.s32 $0x0, s20;
	[sflag:s22] =	ssyncset.done $0x0  }
0xa6: {  	[sflag:s22] =	ssyncadd.s32 s5;
	_ =	sdelay $0x1  }
0xa7: {  	s23 =	simm.s32 $0x1B8B  }
0xa8: {  	_ =	swait.ge [sflag:s23], $0x1  }
0xa9: {  	[sflag:s23] =	ssyncset.done $0x0  }
0xaa: {  	s25 =	simm.s32 $0x1B8E;
	s24 =	sld [smem:$0x3FFE];
	[sflag:s23] =	ssyncadd.s32 $0xFFFFFFFF  }
0xab: {  	s26 =	simm.s32 $execute0_lowered;
	[smem:$0x3FD2] =	sst s25  }
0xac: {  	s6 =	sshll.u32 s26, $0x1;
	_ =	strace $0x80000046;
	[dreg:$0x1] =	wrdreg $0xFFFFFFFF  }
0xad: {  	s28 =	simm.s32 $_size_execute0_lowered;
	s4 =	sadd.s32 s4, s6;
	[dreg:$0x0] =	wrdreg $0x0  }
0xae: {  	s6 =	sshll.u32 s28, $0x1;
	[dreg:$0x2] =	wrdreg s4  }
0xaf: {  	[dreg:$0x3] =	wrdreg s6  }
0xb0: {  	[dreg:$0x4] =	wrdreg $0xC0  }
0xb1: {  	_ =	task [dreg:s8], $0x5FFFF  }
0xb2: {  	[dreg:$0x1] =	wrdreg $0xFFFFFFFF  }
0xb3: {  	[dreg:$0x0] =	wrdreg $0x60  }
0xb4: {  	[dreg:$0x2] =	wrdreg s16  }
0xb5: {  	[dreg:$0x3] =	wrdreg s17  }
0xb6: {  	[dreg:$0x4] =	wrdreg s24  }
0xb7: {  	[dreg:$0x5] =	wrdreg $0x9  }
0xb8: {  	_ =	task.clear_ibuf [dreg:s8], $0x6FFFF;
	_ =	strace $0x90000046  }
0xb9: {  	s29 =	simm.s32 $0x9;
	_ =	strace $0x80000048  }
0xba: {  	_ =	swait.ge [sflag:s29], $0x1  }
0xbb: {  	[sflag:s29] =	ssyncadd.s32 $0xFFFFFFFF  }
0xbc: {  	_ =	strace $0x90000048  }
0xbd: {  	_ =	sfence  }
0xbe: {  	s30 =	sld [smem:$0x0];
	_ =	sdelay $0x2  }
0xbf: {  	s31 =	sshll.u32 s1, $0xD;
	s1 =	sshrl.u32 s1, $0x2  }
0xc0: {  	s3 =	sand.u32 $0x4000, s31;
	s1 =	sadd.s32 s1, s30  }
0xc1: {  	s0 =	sor.u32 s3, s0;
	s1 =	sshll.u32 s1, $0x11  }
0xc2: {  	s0 =	sor.u32 s1, s0  }
0xc3: {  	s0 =	sadd.s32 $0x8F2B, s0  }
0xc4: {  	[sflag:s0] =	ssyncadd.remote.s32 $0x1  }
0xc5: {  	_ =	sfence.sel $0xFFFF  }
0xc6: {  	[dreg:$0x0] =	wrdreg $0xFFFFFFFF;
	(pc) =	sbr.abs _section_cstart, $3  }
0xc7: {  	[dreg:$0x1] =	wrdreg $0xFFFFFFFF  }
0xc8: {  	_ =	task.clear_ibuf [dreg:s8], $0x2FFFF;
	_ =	strace $0x9FFFFFFF  }
0xc9: {  	(tm) =	ssettm $0x7FFFFFFF  }
tec
execute0_lowered:
.L_overlay_start_1:
0x0: {  	(tag) =	ssettag $0x1  }
0x1: {  	s1 =	rddreg [dreg:$0x0];
	s2 =	srdreg.scid  }
0x2: {  	s4 =	rddreg [dreg:$0x1];
	s0 =	stileid.u32;
	s10 =	sand.u32 $0x1, s2  }
0x3: {  	s11 =	rddreg [dreg:$0x2];
	s5 =	sshll.u32 s0, $0x2;
	s6 =	sshll.u32 s10, $0x1  }
0x4: {  	s3 =	simm.s32 $0x0;
	s2 =	rddreg [dreg:$0x3];
	s12 =	sor.u32 s6, s5  }
0x5: {  	[smem:$0x7FF] =	sst s3;
	s5 =	sshll.u32 s12, $0x4  }
0x6: {  	_ =	strace $0x80000047;
	s5 =	sadd.s32 s4, s5;
	s4 =	simm.s32 $0x2  }
0x7: {  	[tilespmem:s3], [sflag:$0x2] =	stream.linear.gather [hbm4b:s5+s3], $0x100, $0x38;
	[tilespmem:$0x2100] =	vst v63  }
0x8: {  	_ =	swait.ge [sflag:s4], $0x100  }
0x9: {  	[sflag:s4] =	ssyncset.done $0x0  }
0xa: {  	s7 =	simm.s32 $0x100;
	s6 =	simm.s32 $0x80;
	[sflag:s4] =	ssyncadd.s32 $0xFFFFFF00  }
0xb: {  	[tilespmem:s7], [sflag:$0x1] =	stream.indirect.gather [hbm4b:s1+s6], $0x20, s3, s6, $0xb8;
	[tilespmem:$0x2100] =	vst v63  }
0xc: {  	s8 =	simm.s32 $0x1100;
	s9 =	simm.s32 $0x1;
	s10 =	ssub.s32 $0x2, s10  }
0xd: {  	[tilespmem:s8], [sflag:$0x1] =	stream.indirect.gather [hbm4b:s1+s6], $0x20, s6, s6, $0xb8;
	[tilespmem:$0x2100] =	vst v63  }
0xe: {  	s13 =	sshrl.u32 s10, $0x1;
	_ =	swait.ge [sflag:s9], $0x1000  }
0xf: {  	s30 =	ssub.s32 s10, s13;
	[sflag:s9] =	ssyncset.done $0x0  }
0x10: {  	s31 =	smax.u32 s30, $0x1;
	[sflag:s9] =	ssyncadd.s32 $0xFFFFF000  }
0x11: {  	s12 =	sshll.u32 s12, $0x9;
	p0 =	sne.s32 s31, $0x1;
	_ =	swait.ge [sflag:s9], $0x1000  }
.Ltmp0:
0x12: {  	s11 =	sadd.s32 s12, s11;
	[sflag:s9] =	ssyncset.done $0x0;
	(pc) =	sbr.rel @!p0 .LBB2_2-.Ltmp0, $4  }
0x13: {  	s10 =	sadd.s32 $0x800, s11;
	[sflag:s9] =	ssyncadd.s32 $0xFFFFF000  }
0x14: {  	[hbm4b:s10+s3] =	stream.linear.scatter [tilespmem:s7], [sflag:$0x2], $0x2000, $0x38;
	[tilespmem:$0x2100] =	vst v63  }
0x15: {  	_ =	swait.ge [sflag:s4], $0x2000  }
0x16: {  	s11 =	sadd.s32 $0xFFFFFFFF, s31;
	[sflag:s4] =	ssyncset.done $0x0  }
.LBB2_1:
0x17: {  	p0 =	sne.s32 s11, $0x1;
	s11 =	sadd.s32 $0xFFFFFFFF, s11;
	[sflag:s4] =	ssyncadd.s32 $0xFFFFE000  }
0x18: {  	[tilespmem:s3], [sflag:$0x2] =	stream.linear.gather [hbm4b:s5+s3], $0x100, $0x38;
	[tilespmem:$0x2100] =	vst v63  }
0x19: {  	_ =	swait.ge [sflag:s4], $0x100  }
0x1a: {  	[sflag:s4] =	ssyncset.done $0x0  }
0x1b: {  	[sflag:s4] =	ssyncadd.s32 $0xFFFFFF00  }
0x1c: {  	[tilespmem:s7], [sflag:$0x1] =	stream.indirect.gather [hbm4b:s1+s6], $0x20, s3, s6, $0xb8;
	[tilespmem:$0x2100] =	vst v63  }
0x1d: {  	_ = 	snop  }
0x1e: {  	[tilespmem:s8], [sflag:$0x1] =	stream.indirect.gather [hbm4b:s1+s6], $0x20, s6, s6, $0xb8;
	[tilespmem:$0x2100] =	vst v63  }
0x1f: {  	_ =	swait.ge [sflag:s9], $0x1000  }
0x20: {  	[sflag:s9] =	ssyncset.done $0x0  }
0x21: {  	[sflag:s9] =	ssyncadd.s32 $0xFFFFF000  }
0x22: {  	_ =	swait.ge [sflag:s9], $0x1000  }
.Ltmp1:
0x23: {  	[sflag:s9] =	ssyncset.done $0x0;
	(pc) =	sbr.rel @p0 .LBB2_1-.Ltmp1, $4  }
0x24: {  	[sflag:s9] =	ssyncadd.s32 $0xFFFFF000  }
0x25: {  	[hbm4b:s10+s3] =	stream.linear.scatter [tilespmem:s7], [sflag:$0x2], $0x2000, $0x38;
	[tilespmem:$0x2100] =	vst v63  }
0x26: {  	_ =	swait.ge [sflag:s4], $0x2000  }
0x27: {  	[sflag:s4] =	ssyncset.done $0x0  }
.LBB2_2:
0x28: {  	[sflag:s4] =	ssyncadd.s32 $0xFFFFE000  }
0x29: {  	_ =	sfence.sel $0x180000  }
0x2a: {  	[bflag:$0x0] =	sbarrier.arrive $0xFFFF  }
0x2b: {  	p0 =	sne.s32 s0, $0x0;
	_ =	strace $0x90000047  }
0x2c: {  	s0 =	sadd.s32 @!p0 $0x100000, s2;
	[bflag:$0x2] =	sbarrier.arrive $0xFFFF  }
0x2d: {  	[sflag:s0] =	ssyncadd.tile.s32 @!p0 $0x1;
	_ =	shalt  }
.Lfunc_end2:
_tile_overlayer_lowered:
.L_overlay_start_2:
0x2e: {  	(tag) =	ssettag $0x2  }
0x2f: {  	s0 =	rddreg [dreg:$0x0];
	s2 =	stileid.u32  }
0x30: {  	s1 =	rddreg [dreg:$0x1];
	p0 =	sne.s32 s2, $0x0  }
0x31: {  	s3 =	rddreg [dreg:$0x2];
	[bflag:$0x3] =	sbarrier.arrive $0xFFFF;
	s2 =	simm.s32 @!p0 $0x1C02  }
0x32: {  	[timem:s3], [sflag:s2] =	dma.local @!p0 [hbm:s0], s1  }
0x33: {  	s0 =	simm.s32 @!p0 $0x2  }
0x34: {  	_ =	swait.ge @!p0 [sflag:s0], s1  }
0x35: {  	s1 =	ssub.s32 @!p0 $0x0, s1;
	[sflag:s0] =	ssyncset.done @!p0 $0x0  }
0x36: {  	[sflag:s0] =	ssyncadd.s32 @!p0 s1  }
0x37: {  	[bflag:$0x3] =	sbarrier.arrive $0xFFFF  }
0x38: {  	_ =	shalt  }

</sc_bundles>
